<compile_context>
chip_gen: v7x
topology: tpu7x:2x2x1
jax: 0.10.2.dev20260603
libtpu: 0.0.44.dev20260713+nightly
codegen_flags: <defaults>
</compile_context>

<pallas_src>
import functools

import jax
import jax.numpy as jnp
from jax import lax
from jax.experimental import pallas as pl
from jax.experimental.pallas import tpu as pltpu
from jax.experimental.pallas import tpu_sc as plsc

_INFO = plsc.get_sparse_core_info()
_NC = _INFO.num_cores
_NS = _INFO.num_subcores
_NW = _NC * _NS

_B = 16384 * 50
_D = 64
_IW = 128
_RPC = 2
_CROWS = _RPC * _IW
_B_PER_W = _B // _NW
_IDX_ROWS = _B_PER_W // _IW
_NCH = _B_PER_W // _CROWS
_NBUF = 3
_LOOK = 2

_mesh = plsc.VectorSubcoreMesh(core_axis_name="c", subcore_axis_name="s")


@functools.partial(
    pl.kernel,
    out_type=jax.ShapeDtypeStruct((_B, _D), jnp.float32),
    mesh=_mesh,
    compiler_params=pltpu.CompilerParams(use_tc_tiling_on_sc=False),
    scratch_types=[
        pltpu.VMEM((_IDX_ROWS, _IW), jnp.int32),
        pltpu.VMEM((_NBUF, _CROWS, _D), jnp.float32),
        pltpu.SemaphoreType.DMA,
        pltpu.SemaphoreType.DMA,
        pltpu.SemaphoreType.DMA,
        pltpu.SemaphoreType.DMA,
        pltpu.SemaphoreType.DMA,
        pltpu.SemaphoreType.DMA,
    ],
)
def _embed_kernel(idx_hbm, table_hbm, out_hbm, idx_v, rows_v,
                  g0, g1, g2, s0, s1, s2):
    gsem = (g0, g1, g2)
    ssem = (s0, s1, s2)
    wid = lax.axis_index("s") * _NC + lax.axis_index("c")
    row_base = wid * _IDX_ROWS
    out_base = wid * _B_PER_W

    pltpu.sync_copy(idx_hbm.at[pl.ds(row_base, _IDX_ROWS)], idx_v)

    def fire_gather(ch, b):
        for r in range(_RPC):
            pltpu.async_copy(
                table_hbm.at[idx_v.at[ch * _RPC + r]],
                rows_v.at[b].at[pl.ds(r * _IW, _IW)],
                gsem[b],
            )

    def drain_gather(ch, b):
        for r in range(_RPC):
            pltpu.make_async_copy(
                table_hbm.at[idx_v.at[ch * _RPC + r]],
                rows_v.at[b].at[pl.ds(r * _IW, _IW)],
                gsem[b],
            ).wait()

    def fire_store(ch, b):
        pltpu.async_copy(
            rows_v.at[b], out_hbm.at[pl.ds(out_base + ch * _CROWS, _CROWS)],
            ssem[b],
        )

    def drain_store(ch, b):
        pltpu.make_async_copy(
            rows_v.at[b], out_hbm.at[pl.ds(out_base + ch * _CROWS, _CROWS)],
            ssem[b],
        ).wait()

    for ch in range(_LOOK):
        fire_gather(ch, ch % _NBUF)

    def body(i, _):
        for bb in range(_NBUF):
            g = i * _NBUF + bb
            drain_gather(g, bb)
            fire_store(g, bb)
            nb = (bb + _LOOK) % _NBUF

            @pl.when(jnp.logical_and(g >= 1, g + _LOOK < _NCH))
            def _():
                drain_store(g - 1, nb)

            @pl.when(g + _LOOK < _NCH)
            def _():
                fire_gather(g + _LOOK, nb)
        return ()

    lax.fori_loop(0, _NCH // _NBUF, body, ())

    g = _NCH - 1
    bb = g % _NBUF
    drain_gather(g, bb)
    fire_store(g, bb)

    for ch in range(_NCH - 3, _NCH):
        drain_store(ch, ch % _NBUF)


def kernel(x, embeddings):
    idx2d = x.reshape(_B // _IW, _IW).astype(jnp.int32)
    out = _embed_kernel(idx2d, embeddings)
    return out.reshape(x.shape[0], x.shape[1], _D)

# --- scband reference (transcript-rebuilt; emitter-appended) ---
"""Pipeline reference for scband-token-embed-65309272703598 (READ-ONLY COPY).

The authoritative reference and input builder live on the scoring server;
editing this copy changes nothing except your own understanding.
"""

import jax, jax.numpy as jnp
import numpy as np

VOCAB = 1000000
HIDDEN = 64
BATCH = 16384
HIST = 50

def setup_inputs(seed: int = 0) -> dict:
    key = jax.random.key(seed)
    k1, k2 = jax.random.split(key)
    x = jax.random.randint(k1, (BATCH, HIST), 0, VOCAB, dtype=jnp.int64 if jax.config.jax_enable_x64 else jnp.int32)
    embeddings = jax.random.normal(k2, (VOCAB, HIDDEN), dtype=jnp.float32) * 0.02
    return {"x": x, "embeddings": embeddings}

def reference(x, embeddings):
    # Faithful translation of: return self.embeddings[x, :]
    return jnp.take(embeddings, x, axis=0)

if __name__ == "__main__":
    import jax
    _d = setup_inputs()
    print(jax.jit(kernel)(*tuple(_d.values())))

</pallas_src>

<mosaic_0001>
#map = affine_map<(d0, d1) -> (0, 0)>
module attributes {stable_mosaic.version = 14 : i64} {
  func.func @_embed_kernel(%arg0: i32, %arg1: i32, %arg2: memref<6400x128xi32, #tpu.memory_space<hbm>>, %arg3: memref<1000000x64xf32, #tpu.memory_space<hbm>>, %arg4: memref<819200x64xf32, #tpu.memory_space<hbm>>, %arg5: memref<200x128xi32, #tpu.memory_space<vmem>>, %arg6: memref<3x256x64xf32, #tpu.memory_space<vmem>>, %arg7: memref<!tpu.dma_semaphore, #tpu.memory_space<semaphore_mem>>, %arg8: memref<!tpu.dma_semaphore, #tpu.memory_space<semaphore_mem>>, %arg9: memref<!tpu.dma_semaphore, #tpu.memory_space<semaphore_mem>>, %arg10: memref<!tpu.dma_semaphore, #tpu.memory_space<semaphore_mem>>, %arg11: memref<!tpu.dma_semaphore, #tpu.memory_space<semaphore_mem>>, %arg12: memref<!tpu.dma_semaphore, #tpu.memory_space<semaphore_mem>>) attributes {dimension_semantics = [#tpu.dimension_semantics<core_parallel>, #tpu.dimension_semantics<subcore_parallel>], iteration_bounds = array<i64: 2, 16>, scalar_prefetch = 0 : i64, scratch_operands = 8 : i64, tpu.core_type = #tpu.core_type<sc_vector_subcore>, window_params = [{transform_indices = #map}, {transform_indices = #map}, {transform_indices = #map}]} {
    %mul3A = arith.constant 2 : i32
    %mul3A_0 = arith.muli %arg1, %mul3A : i32
    %add3A = arith.addi %mul3A_0, %arg0 : i32
    %mul3A_1 = arith.constant 200 : i32
    %mul3A_2 = arith.muli %add3A, %mul3A_1 : i32
    %mul3A_3 = arith.constant 25600 : i32
    %mul3A_4 = arith.muli %add3A, %mul3A_3 : i32
    "tpu.region"() ({
      %run_scoped3A = tpu.sem_alloc : memref<!tpu.dma_semaphore, #tpu.memory_space<semaphore_mem>>
      %dma_start3A_157 = arith.constant 0 : i32
      %dma_start3A_158 = tpu.memref_slice %arg2[%mul3A_2, %dma_start3A_157] : memref<6400x128xi32, #tpu.memory_space<hbm>> -> memref<200x128xi32, #tpu.memory_space<hbm>>
      %dma_start3A_159 = arith.constant 0 : i32
      %dma_start3A_160 = tpu.memref_slice %arg2[%mul3A_2, %dma_start3A_159] : memref<6400x128xi32, #tpu.memory_space<hbm>> -> memref<200x128xi32, #tpu.memory_space<hbm>>
      tpu.enqueue_dma source(%dma_start3A_160 : memref<200x128xi32, #tpu.memory_space<hbm>>) target(%arg5 : memref<200x128xi32, #tpu.memory_space<vmem>>) target_semaphore(%run_scoped3A : memref<!tpu.dma_semaphore, #tpu.memory_space<semaphore_mem>>)
      %dma_wait3A_161 = arith.constant 0 : i32
      %dma_wait3A_162 = tpu.memref_slice %arg2[%mul3A_2, %dma_wait3A_161] : memref<6400x128xi32, #tpu.memory_space<hbm>> -> memref<200x128xi32, #tpu.memory_space<hbm>>
      %dma_wait3A_163 = arith.constant 0 : i32
      %dma_wait3A_164 = tpu.memref_slice %arg2[%mul3A_2, %dma_wait3A_163] : memref<6400x128xi32, #tpu.memory_space<hbm>> -> memref<200x128xi32, #tpu.memory_space<hbm>>
      tpu.wait_dma2 semaphore(%run_scoped3A : memref<!tpu.dma_semaphore, #tpu.memory_space<semaphore_mem>>) src(%dma_wait3A_164 : memref<200x128xi32, #tpu.memory_space<hbm>>) dst(%arg5 : memref<200x128xi32, #tpu.memory_space<vmem>>)
      tpu.yield
    }) : () -> ()
    %dma_start3A = arith.constant 0 : i32
    %dma_start3A_5 = arith.constant 0 : i32
    %dma_start3A_6 = arith.constant 0 : i32
    %dma_start3A_7 = arith.constant 0 : i32
    %dma_start3A_8 = tpu.memref_slice %arg6[%dma_start3A_5, %dma_start3A_6, %dma_start3A_7] : memref<3x256x64xf32, #tpu.memory_space<vmem>> -> memref<1x256x64xf32, #tpu.memory_space<vmem>>
    %dma_start3A_9 = tpu.memref_squeeze %dma_start3A_8 : memref<1x256x64xf32, #tpu.memory_space<vmem>> -> memref<256x64xf32, #tpu.memory_space<vmem>>
    %dma_start3A_10 = arith.constant 0 : i32
    %dma_start3A_11 = arith.constant 0 : i32
    %dma_start3A_12 = tpu.memref_slice %dma_start3A_9[%dma_start3A_10, %dma_start3A_11] : memref<256x64xf32, #tpu.memory_space<vmem>> -> memref<128x64xf32, #tpu.memory_space<vmem>>
    %dma_start3A_13 = arith.constant 0 : i32
    %dma_start3A_14 = tpu.memref_slice %arg5[%dma_start3A, %dma_start3A_13] : memref<200x128xi32, #tpu.memory_space<vmem>> -> memref<1x128xi32, #tpu.memory_space<vmem>>
    %dma_start3A_15 = tpu.memref_squeeze %dma_start3A_14 : memref<1x128xi32, #tpu.memory_space<vmem>> -> memref<128xi32, #tpu.memory_space<vmem>>
    %dma_start3A_16 = arith.constant 0 : i32
    %dma_start3A_17 = arith.constant 0 : i32
    %dma_start3A_18 = tpu.memref_slice %arg3[%dma_start3A_16, %dma_start3A_17] : memref<1000000x64xf32, #tpu.memory_space<hbm>> -> memref<1000000x64xf32, #tpu.memory_space<hbm>>
    tpu.enqueue_indirect_dma source(%dma_start3A_18 : memref<1000000x64xf32, #tpu.memory_space<hbm>>) target(%dma_start3A_12 : memref<128x64xf32, #tpu.memory_space<vmem>>) offsets(%dma_start3A_15 : memref<128xi32, #tpu.memory_space<vmem>>) semaphore(%arg7 : memref<!tpu.dma_semaphore, #tpu.memory_space<semaphore_mem>>)
    %dma_start3A_19 = arith.constant 1 : i32
    %dma_start3A_20 = arith.constant 0 : i32
    %dma_start3A_21 = arith.constant 0 : i32
    %dma_start3A_22 = arith.constant 0 : i32
    %dma_start3A_23 = tpu.memref_slice %arg6[%dma_start3A_20, %dma_start3A_21, %dma_start3A_22] : memref<3x256x64xf32, #tpu.memory_space<vmem>> -> memref<1x256x64xf32, #tpu.memory_space<vmem>>
    %dma_start3A_24 = tpu.memref_squeeze %dma_start3A_23 : memref<1x256x64xf32, #tpu.memory_space<vmem>> -> memref<256x64xf32, #tpu.memory_space<vmem>>
    %dma_start3A_25 = arith.constant 128 : i32
    %dma_start3A_26 = arith.constant 0 : i32
    %dma_start3A_27 = tpu.memref_slice %dma_start3A_24[%dma_start3A_25, %dma_start3A_26] : memref<256x64xf32, #tpu.memory_space<vmem>> -> memref<128x64xf32, #tpu.memory_space<vmem>>
    %dma_start3A_28 = arith.constant 0 : i32
    %dma_start3A_29 = tpu.memref_slice %arg5[%dma_start3A_19, %dma_start3A_28] : memref<200x128xi32, #tpu.memory_space<vmem>> -> memref<1x128xi32, #tpu.memory_space<vmem>>
    %dma_start3A_30 = tpu.memref_squeeze %dma_start3A_29 : memref<1x128xi32, #tpu.memory_space<vmem>> -> memref<128xi32, #tpu.memory_space<vmem>>
    %dma_start3A_31 = arith.constant 0 : i32
    %dma_start3A_32 = arith.constant 0 : i32
    %dma_start3A_33 = tpu.memref_slice %arg3[%dma_start3A_31, %dma_start3A_32] : memref<1000000x64xf32, #tpu.memory_space<hbm>> -> memref<1000000x64xf32, #tpu.memory_space<hbm>>
    tpu.enqueue_indirect_dma source(%dma_start3A_33 : memref<1000000x64xf32, #tpu.memory_space<hbm>>) target(%dma_start3A_27 : memref<128x64xf32, #tpu.memory_space<vmem>>) offsets(%dma_start3A_30 : memref<128xi32, #tpu.memory_space<vmem>>) semaphore(%arg7 : memref<!tpu.dma_semaphore, #tpu.memory_space<semaphore_mem>>)
    %dma_start3A_34 = arith.constant 2 : i32
    %dma_start3A_35 = arith.constant 1 : i32
    %dma_start3A_36 = arith.constant 0 : i32
    %dma_start3A_37 = arith.constant 0 : i32
    %dma_start3A_38 = tpu.memref_slice %arg6[%dma_start3A_35, %dma_start3A_36, %dma_start3A_37] : memref<3x256x64xf32, #tpu.memory_space<vmem>> -> memref<1x256x64xf32, #tpu.memory_space<vmem>>
    %dma_start3A_39 = tpu.memref_squeeze %dma_start3A_38 : memref<1x256x64xf32, #tpu.memory_space<vmem>> -> memref<256x64xf32, #tpu.memory_space<vmem>>
    %dma_start3A_40 = arith.constant 0 : i32
    %dma_start3A_41 = arith.constant 0 : i32
    %dma_start3A_42 = tpu.memref_slice %dma_start3A_39[%dma_start3A_40, %dma_start3A_41] : memref<256x64xf32, #tpu.memory_space<vmem>> -> memref<128x64xf32, #tpu.memory_space<vmem>>
    %dma_start3A_43 = arith.constant 0 : i32
    %dma_start3A_44 = tpu.memref_slice %arg5[%dma_start3A_34, %dma_start3A_43] : memref<200x128xi32, #tpu.memory_space<vmem>> -> memref<1x128xi32, #tpu.memory_space<vmem>>
    %dma_start3A_45 = tpu.memref_squeeze %dma_start3A_44 : memref<1x128xi32, #tpu.memory_space<vmem>> -> memref<128xi32, #tpu.memory_space<vmem>>
    %dma_start3A_46 = arith.constant 0 : i32
    %dma_start3A_47 = arith.constant 0 : i32
    %dma_start3A_48 = tpu.memref_slice %arg3[%dma_start3A_46, %dma_start3A_47] : memref<1000000x64xf32, #tpu.memory_space<hbm>> -> memref<1000000x64xf32, #tpu.memory_space<hbm>>
    tpu.enqueue_indirect_dma source(%dma_start3A_48 : memref<1000000x64xf32, #tpu.memory_space<hbm>>) target(%dma_start3A_42 : memref<128x64xf32, #tpu.memory_space<vmem>>) offsets(%dma_start3A_45 : memref<128xi32, #tpu.memory_space<vmem>>) semaphore(%arg8 : memref<!tpu.dma_semaphore, #tpu.memory_space<semaphore_mem>>)
    %dma_start3A_49 = arith.constant 3 : i32
    %dma_start3A_50 = arith.constant 1 : i32
    %dma_start3A_51 = arith.constant 0 : i32
    %dma_start3A_52 = arith.constant 0 : i32
    %dma_start3A_53 = tpu.memref_slice %arg6[%dma_start3A_50, %dma_start3A_51, %dma_start3A_52] : memref<3x256x64xf32, #tpu.memory_space<vmem>> -> memref<1x256x64xf32, #tpu.memory_space<vmem>>
    %dma_start3A_54 = tpu.memref_squeeze %dma_start3A_53 : memref<1x256x64xf32, #tpu.memory_space<vmem>> -> memref<256x64xf32, #tpu.memory_space<vmem>>
    %dma_start3A_55 = arith.constant 128 : i32
    %dma_start3A_56 = arith.constant 0 : i32
    %dma_start3A_57 = tpu.memref_slice %dma_start3A_54[%dma_start3A_55, %dma_start3A_56] : memref<256x64xf32, #tpu.memory_space<vmem>> -> memref<128x64xf32, #tpu.memory_space<vmem>>
    %dma_start3A_58 = arith.constant 0 : i32
    %dma_start3A_59 = tpu.memref_slice %arg5[%dma_start3A_49, %dma_start3A_58] : memref<200x128xi32, #tpu.memory_space<vmem>> -> memref<1x128xi32, #tpu.memory_space<vmem>>
    %dma_start3A_60 = tpu.memref_squeeze %dma_start3A_59 : memref<1x128xi32, #tpu.memory_space<vmem>> -> memref<128xi32, #tpu.memory_space<vmem>>
    %dma_start3A_61 = arith.constant 0 : i32
    %dma_start3A_62 = arith.constant 0 : i32
    %dma_start3A_63 = tpu.memref_slice %arg3[%dma_start3A_61, %dma_start3A_62] : memref<1000000x64xf32, #tpu.memory_space<hbm>> -> memref<1000000x64xf32, #tpu.memory_space<hbm>>
    tpu.enqueue_indirect_dma source(%dma_start3A_63 : memref<1000000x64xf32, #tpu.memory_space<hbm>>) target(%dma_start3A_57 : memref<128x64xf32, #tpu.memory_space<vmem>>) offsets(%dma_start3A_60 : memref<128xi32, #tpu.memory_space<vmem>>) semaphore(%arg8 : memref<!tpu.dma_semaphore, #tpu.memory_space<semaphore_mem>>)
    %scan3A = arith.constant 0 : i32
    %scan3A_64 = arith.constant 33 : i32
    %scan3A_65 = arith.addi %scan3A, %scan3A_64 : i32
    %scan3A_66 = arith.constant 1 : i32
    scf.for %scan3A_157 = %scan3A to %scan3A_65 step %scan3A_66  : i32 {
      %mul3A_158 = arith.constant 3 : i32
      %mul3A_159 = arith.muli %scan3A_157, %mul3A_158 : i32
      %add3A_160 = arith.constant 0 : i32
      %add3A_161 = arith.addi %mul3A_159, %add3A_160 : i32
      %mul3A_162 = arith.constant 2 : i32
      %mul3A_163 = arith.muli %add3A_161, %mul3A_162 : i32
      %add3A_164 = arith.constant 0 : i32
      %add3A_165 = arith.addi %mul3A_163, %add3A_164 : i32
      %dma_wait3A_166 = arith.constant 0 : i32
      %dma_wait3A_167 = arith.constant 0 : i32
      %dma_wait3A_168 = arith.constant 0 : i32
      %dma_wait3A_169 = tpu.memref_slice %arg6[%dma_wait3A_166, %dma_wait3A_167, %dma_wait3A_168] : memref<3x256x64xf32, #tpu.memory_space<vmem>> -> memref<1x256x64xf32, #tpu.memory_space<vmem>>
      %dma_wait3A_170 = tpu.memref_squeeze %dma_wait3A_169 : memref<1x256x64xf32, #tpu.memory_space<vmem>> -> memref<256x64xf32, #tpu.memory_space<vmem>>
      %dma_wait3A_171 = arith.constant 0 : i32
      %dma_wait3A_172 = arith.constant 0 : i32
      %dma_wait3A_173 = tpu.memref_slice %dma_wait3A_170[%dma_wait3A_171, %dma_wait3A_172] : memref<256x64xf32, #tpu.memory_space<vmem>> -> memref<128x64xf32, #tpu.memory_space<vmem>>
      %dma_wait3A_174 = arith.constant 0 : i32
      %dma_wait3A_175 = tpu.memref_slice %arg5[%add3A_165, %dma_wait3A_174] : memref<200x128xi32, #tpu.memory_space<vmem>> -> memref<1x128xi32, #tpu.memory_space<vmem>>
      %dma_wait3A_176 = tpu.memref_squeeze %dma_wait3A_175 : memref<1x128xi32, #tpu.memory_space<vmem>> -> memref<128xi32, #tpu.memory_space<vmem>>
      %dma_wait3A_177 = arith.constant 0 : i32
      %dma_wait3A_178 = arith.constant 0 : i32
      %dma_wait3A_179 = tpu.memref_slice %arg3[%dma_wait3A_177, %dma_wait3A_178] : memref<1000000x64xf32, #tpu.memory_space<hbm>> -> memref<1000000x64xf32, #tpu.memory_space<hbm>>
      tpu.wait_indirect_dma semaphore(%arg7 : memref<!tpu.dma_semaphore, #tpu.memory_space<semaphore_mem>>) src(%dma_wait3A_179 : memref<1000000x64xf32, #tpu.memory_space<hbm>>) dst(%dma_wait3A_173 : memref<128x64xf32, #tpu.memory_space<vmem>>)
      %mul3A_180 = arith.constant 2 : i32
      %mul3A_181 = arith.muli %add3A_161, %mul3A_180 : i32
      %add3A_182 = arith.constant 1 : i32
      %add3A_183 = arith.addi %mul3A_181, %add3A_182 : i32
      %dma_wait3A_184 = arith.constant 0 : i32
      %dma_wait3A_185 = arith.constant 0 : i32
      %dma_wait3A_186 = arith.constant 0 : i32
      %dma_wait3A_187 = tpu.memref_slice %arg6[%dma_wait3A_184, %dma_wait3A_185, %dma_wait3A_186] : memref<3x256x64xf32, #tpu.memory_space<vmem>> -> memref<1x256x64xf32, #tpu.memory_space<vmem>>
      %dma_wait3A_188 = tpu.memref_squeeze %dma_wait3A_187 : memref<1x256x64xf32, #tpu.memory_space<vmem>> -> memref<256x64xf32, #tpu.memory_space<vmem>>
      %dma_wait3A_189 = arith.constant 128 : i32
      %dma_wait3A_190 = arith.constant 0 : i32
      %dma_wait3A_191 = tpu.memref_slice %dma_wait3A_188[%dma_wait3A_189, %dma_wait3A_190] : memref<256x64xf32, #tpu.memory_space<vmem>> -> memref<128x64xf32, #tpu.memory_space<vmem>>
      %dma_wait3A_192 = arith.constant 0 : i32
      %dma_wait3A_193 = tpu.memref_slice %arg5[%add3A_183, %dma_wait3A_192] : memref<200x128xi32, #tpu.memory_space<vmem>> -> memref<1x128xi32, #tpu.memory_space<vmem>>
      %dma_wait3A_194 = tpu.memref_squeeze %dma_wait3A_193 : memref<1x128xi32, #tpu.memory_space<vmem>> -> memref<128xi32, #tpu.memory_space<vmem>>
      %dma_wait3A_195 = arith.constant 0 : i32
      %dma_wait3A_196 = arith.constant 0 : i32
      %dma_wait3A_197 = tpu.memref_slice %arg3[%dma_wait3A_195, %dma_wait3A_196] : memref<1000000x64xf32, #tpu.memory_space<hbm>> -> memref<1000000x64xf32, #tpu.memory_space<hbm>>
      tpu.wait_indirect_dma semaphore(%arg7 : memref<!tpu.dma_semaphore, #tpu.memory_space<semaphore_mem>>) src(%dma_wait3A_197 : memref<1000000x64xf32, #tpu.memory_space<hbm>>) dst(%dma_wait3A_191 : memref<128x64xf32, #tpu.memory_space<vmem>>)
      %mul3A_198 = arith.constant 256 : i32
      %mul3A_199 = arith.muli %add3A_161, %mul3A_198 : i32
      %add3A_200 = arith.addi %mul3A_4, %mul3A_199 : i32
      %dma_start3A_201 = arith.constant 0 : i32
      %dma_start3A_202 = arith.constant 0 : i32
      %dma_start3A_203 = arith.constant 0 : i32
      %dma_start3A_204 = tpu.memref_slice %arg6[%dma_start3A_201, %dma_start3A_202, %dma_start3A_203] : memref<3x256x64xf32, #tpu.memory_space<vmem>> -> memref<1x256x64xf32, #tpu.memory_space<vmem>>
      %dma_start3A_205 = tpu.memref_squeeze %dma_start3A_204 : memref<1x256x64xf32, #tpu.memory_space<vmem>> -> memref<256x64xf32, #tpu.memory_space<vmem>>
      %dma_start3A_206 = arith.constant 0 : i32
      %dma_start3A_207 = tpu.memref_slice %arg4[%add3A_200, %dma_start3A_206] : memref<819200x64xf32, #tpu.memory_space<hbm>> -> memref<256x64xf32, #tpu.memory_space<hbm>>
      %dma_start3A_208 = arith.constant 0 : i32
      %dma_start3A_209 = tpu.memref_slice %arg4[%add3A_200, %dma_start3A_208] : memref<819200x64xf32, #tpu.memory_space<hbm>> -> memref<256x64xf32, #tpu.memory_space<hbm>>
      %dma_start3A_210 = arith.constant 0 : i32
      %dma_start3A_211 = arith.constant 0 : i32
      %dma_start3A_212 = tpu.memref_slice %arg6[%dma_start3A_201, %dma_start3A_210, %dma_start3A_211] : memref<3x256x64xf32, #tpu.memory_space<vmem>> -> memref<1x256x64xf32, #tpu.memory_space<vmem>>
      %dma_start3A_213 = tpu.memref_squeeze %dma_start3A_212 : memref<1x256x64xf32, #tpu.memory_space<vmem>> -> memref<256x64xf32, #tpu.memory_space<vmem>>
      tpu.enqueue_dma source(%dma_start3A_213 : memref<256x64xf32, #tpu.memory_space<vmem>>) target(%dma_start3A_209 : memref<256x64xf32, #tpu.memory_space<hbm>>) target_semaphore(%arg10 : memref<!tpu.dma_semaphore, #tpu.memory_space<semaphore_mem>>)
      %ge3A = arith.constant 1 : i32
      %ge3A_214 = arith.cmpi sge, %add3A_161, %ge3A : i32
      %add3A_215 = arith.constant 2 : i32
      %add3A_216 = arith.addi %add3A_161, %add3A_215 : i32
      %lt3A = arith.constant 100 : i32
      %lt3A_217 = arith.cmpi slt, %add3A_216, %lt3A : i32
      %and3A = arith.andi %ge3A_214, %lt3A_217 : i1
      %convert_element_type3A = arith.extui %and3A : i1 to i32
      %cond3A = arith.constant 0 : i32
      %cond3A_218 = arith.cmpi ne, %convert_element_type3A, %cond3A : i32
      scf.if %cond3A_218 {
        %sub3A = arith.constant 1 : i32
        %sub3A_372 = arith.subi %add3A_161, %sub3A : i32
        %mul3A_373 = arith.constant 256 : i32
        %mul3A_374 = arith.muli %sub3A_372, %mul3A_373 : i32
        %add3A_375 = arith.addi %mul3A_4, %mul3A_374 : i32
        %dma_wait3A_376 = arith.constant 2 : i32
        %dma_wait3A_377 = arith.constant 0 : i32
        %dma_wait3A_378 = arith.constant 0 : i32
        %dma_wait3A_379 = tpu.memref_slice %arg6[%dma_wait3A_376, %dma_wait3A_377, %dma_wait3A_378] : memref<3x256x64xf32, #tpu.memory_space<vmem>> -> memref<1x256x64xf32, #tpu.memory_space<vmem>>
        %dma_wait3A_380 = tpu.memref_squeeze %dma_wait3A_379 : memref<1x256x64xf32, #tpu.memory_space<vmem>> -> memref<256x64xf32, #tpu.memory_space<vmem>>
        %dma_wait3A_381 = arith.constant 0 : i32
        %dma_wait3A_382 = tpu.memref_slice %arg4[%add3A_375, %dma_wait3A_381] : memref<819200x64xf32, #tpu.memory_space<hbm>> -> memref<256x64xf32, #tpu.memory_space<hbm>>
        %dma_wait3A_383 = arith.constant 0 : i32
        %dma_wait3A_384 = tpu.memref_slice %arg4[%add3A_375, %dma_wait3A_383] : memref<819200x64xf32, #tpu.memory_space<hbm>> -> memref<256x64xf32, #tpu.memory_space<hbm>>
        %dma_wait3A_385 = arith.constant 0 : i32
        %dma_wait3A_386 = arith.constant 0 : i32
        %dma_wait3A_387 = tpu.memref_slice %arg6[%dma_wait3A_376, %dma_wait3A_385, %dma_wait3A_386] : memref<3x256x64xf32, #tpu.memory_space<vmem>> -> memref<1x256x64xf32, #tpu.memory_space<vmem>>
        %dma_wait3A_388 = tpu.memref_squeeze %dma_wait3A_387 : memref<1x256x64xf32, #tpu.memory_space<vmem>> -> memref<256x64xf32, #tpu.memory_space<vmem>>
        tpu.wait_dma2 semaphore(%arg12 : memref<!tpu.dma_semaphore, #tpu.memory_space<semaphore_mem>>) src(%dma_wait3A_388 : memref<256x64xf32, #tpu.memory_space<vmem>>) dst(%dma_wait3A_384 : memref<256x64xf32, #tpu.memory_space<hbm>>)
      } else {
      }
      %add3A_219 = arith.constant 2 : i32
      %add3A_220 = arith.addi %add3A_161, %add3A_219 : i32
      %lt3A_221 = arith.constant 100 : i32
      %lt3A_222 = arith.cmpi slt, %add3A_220, %lt3A_221 : i32
      %convert_element_type3A_223 = arith.extui %lt3A_222 : i1 to i32
      %cond3A_224 = arith.constant 0 : i32
      %cond3A_225 = arith.cmpi ne, %convert_element_type3A_223, %cond3A_224 : i32
      scf.if %cond3A_225 {
        %add3A_372 = arith.constant 2 : i32
        %add3A_373 = arith.addi %add3A_161, %add3A_372 : i32
        %mul3A_374 = arith.constant 2 : i32
        %mul3A_375 = arith.muli %add3A_373, %mul3A_374 : i32
        %add3A_376 = arith.constant 0 : i32
        %add3A_377 = arith.addi %mul3A_375, %add3A_376 : i32
        %dma_start3A_378 = arith.constant 2 : i32
        %dma_start3A_379 = arith.constant 0 : i32
        %dma_start3A_380 = arith.constant 0 : i32
        %dma_start3A_381 = tpu.memref_slice %arg6[%dma_start3A_378, %dma_start3A_379, %dma_start3A_380] : memref<3x256x64xf32, #tpu.memory_space<vmem>> -> memref<1x256x64xf32, #tpu.memory_space<vmem>>
        %dma_start3A_382 = tpu.memref_squeeze %dma_start3A_381 : memref<1x256x64xf32, #tpu.memory_space<vmem>> -> memref<256x64xf32, #tpu.memory_space<vmem>>
        %dma_start3A_383 = arith.constant 0 : i32
        %dma_start3A_384 = arith.constant 0 : i32
        %dma_start3A_385 = tpu.memref_slice %dma_start3A_382[%dma_start3A_383, %dma_start3A_384] : memref<256x64xf32, #tpu.memory_space<vmem>> -> memref<128x64xf32, #tpu.memory_space<vmem>>
        %dma_start3A_386 = arith.constant 0 : i32
        %dma_start3A_387 = tpu.memref_slice %arg5[%add3A_377, %dma_start3A_386] : memref<200x128xi32, #tpu.memory_space<vmem>> -> memref<1x128xi32, #tpu.memory_space<vmem>>
        %dma_start3A_388 = tpu.memref_squeeze %dma_start3A_387 : memref<1x128xi32, #tpu.memory_space<vmem>> -> memref<128xi32, #tpu.memory_space<vmem>>
        %dma_start3A_389 = arith.constant 0 : i32
        %dma_start3A_390 = arith.constant 0 : i32
        %dma_start3A_391 = tpu.memref_slice %arg3[%dma_start3A_389, %dma_start3A_390] : memref<1000000x64xf32, #tpu.memory_space<hbm>> -> memref<1000000x64xf32, #tpu.memory_space<hbm>>
        tpu.enqueue_indirect_dma source(%dma_start3A_391 : memref<1000000x64xf32, #tpu.memory_space<hbm>>) target(%dma_start3A_385 : memref<128x64xf32, #tpu.memory_space<vmem>>) offsets(%dma_start3A_388 : memref<128xi32, #tpu.memory_space<vmem>>) semaphore(%arg9 : memref<!tpu.dma_semaphore, #tpu.memory_space<semaphore_mem>>)
        %mul3A_392 = arith.constant 2 : i32
        %mul3A_393 = arith.muli %add3A_373, %mul3A_392 : i32
        %add3A_394 = arith.constant 1 : i32
        %add3A_395 = arith.addi %mul3A_393, %add3A_394 : i32
        %dma_start3A_396 = arith.constant 2 : i32
        %dma_start3A_397 = arith.constant 0 : i32
        %dma_start3A_398 = arith.constant 0 : i32
        %dma_start3A_399 = tpu.memref_slice %arg6[%dma_start3A_396, %dma_start3A_397, %dma_start3A_398] : memref<3x256x64xf32, #tpu.memory_space<vmem>> -> memref<1x256x64xf32, #tpu.memory_space<vmem>>
        %dma_start3A_400 = tpu.memref_squeeze %dma_start3A_399 : memref<1x256x64xf32, #tpu.memory_space<vmem>> -> memref<256x64xf32, #tpu.memory_space<vmem>>
        %dma_start3A_401 = arith.constant 128 : i32
        %dma_start3A_402 = arith.constant 0 : i32
        %dma_start3A_403 = tpu.memref_slice %dma_start3A_400[%dma_start3A_401, %dma_start3A_402] : memref<256x64xf32, #tpu.memory_space<vmem>> -> memref<128x64xf32, #tpu.memory_space<vmem>>
        %dma_start3A_404 = arith.constant 0 : i32
        %dma_start3A_405 = tpu.memref_slice %arg5[%add3A_395, %dma_start3A_404] : memref<200x128xi32, #tpu.memory_space<vmem>> -> memref<1x128xi32, #tpu.memory_space<vmem>>
        %dma_start3A_406 = tpu.memref_squeeze %dma_start3A_405 : memref<1x128xi32, #tpu.memory_space<vmem>> -> memref<128xi32, #tpu.memory_space<vmem>>
        %dma_start3A_407 = arith.constant 0 : i32
        %dma_start3A_408 = arith.constant 0 : i32
        %dma_start3A_409 = tpu.memref_slice %arg3[%dma_start3A_407, %dma_start3A_408] : memref<1000000x64xf32, #tpu.memory_space<hbm>> -> memref<1000000x64xf32, #tpu.memory_space<hbm>>
        tpu.enqueue_indirect_dma source(%dma_start3A_409 : memref<1000000x64xf32, #tpu.memory_space<hbm>>) target(%dma_start3A_403 : memref<128x64xf32, #tpu.memory_space<vmem>>) offsets(%dma_start3A_406 : memref<128xi32, #tpu.memory_space<vmem>>) semaphore(%arg9 : memref<!tpu.dma_semaphore, #tpu.memory_space<semaphore_mem>>)
      } else {
      }
      %mul3A_226 = arith.constant 3 : i32
      %mul3A_227 = arith.muli %scan3A_157, %mul3A_226 : i32
      %add3A_228 = arith.constant 1 : i32
      %add3A_229 = arith.addi %mul3A_227, %add3A_228 : i32
      %mul3A_230 = arith.constant 2 : i32
      %mul3A_231 = arith.muli %add3A_229, %mul3A_230 : i32
      %add3A_232 = arith.constant 0 : i32
      %add3A_233 = arith.addi %mul3A_231, %add3A_232 : i32
      %dma_wait3A_234 = arith.constant 1 : i32
      %dma_wait3A_235 = arith.constant 0 : i32
      %dma_wait3A_236 = arith.constant 0 : i32
      %dma_wait3A_237 = tpu.memref_slice %arg6[%dma_wait3A_234, %dma_wait3A_235, %dma_wait3A_236] : memref<3x256x64xf32, #tpu.memory_space<vmem>> -> memref<1x256x64xf32, #tpu.memory_space<vmem>>
      %dma_wait3A_238 = tpu.memref_squeeze %dma_wait3A_237 : memref<1x256x64xf32, #tpu.memory_space<vmem>> -> memref<256x64xf32, #tpu.memory_space<vmem>>
      %dma_wait3A_239 = arith.constant 0 : i32
      %dma_wait3A_240 = arith.constant 0 : i32
      %dma_wait3A_241 = tpu.memref_slice %dma_wait3A_238[%dma_wait3A_239, %dma_wait3A_240] : memref<256x64xf32, #tpu.memory_space<vmem>> -> memref<128x64xf32, #tpu.memory_space<vmem>>
      %dma_wait3A_242 = arith.constant 0 : i32
      %dma_wait3A_243 = tpu.memref_slice %arg5[%add3A_233, %dma_wait3A_242] : memref<200x128xi32, #tpu.memory_space<vmem>> -> memref<1x128xi32, #tpu.memory_space<vmem>>
      %dma_wait3A_244 = tpu.memref_squeeze %dma_wait3A_243 : memref<1x128xi32, #tpu.memory_space<vmem>> -> memref<128xi32, #tpu.memory_space<vmem>>
      %dma_wait3A_245 = arith.constant 0 : i32
      %dma_wait3A_246 = arith.constant 0 : i32
      %dma_wait3A_247 = tpu.memref_slice %arg3[%dma_wait3A_245, %dma_wait3A_246] : memref<1000000x64xf32, #tpu.memory_space<hbm>> -> memref<1000000x64xf32, #tpu.memory_space<hbm>>
      tpu.wait_indirect_dma semaphore(%arg8 : memref<!tpu.dma_semaphore, #tpu.memory_space<semaphore_mem>>) src(%dma_wait3A_247 : memref<1000000x64xf32, #tpu.memory_space<hbm>>) dst(%dma_wait3A_241 : memref<128x64xf32, #tpu.memory_space<vmem>>)
      %mul3A_248 = arith.constant 2 : i32
      %mul3A_249 = arith.muli %add3A_229, %mul3A_248 : i32
      %add3A_250 = arith.constant 1 : i32
      %add3A_251 = arith.addi %mul3A_249, %add3A_250 : i32
      %dma_wait3A_252 = arith.constant 1 : i32
      %dma_wait3A_253 = arith.constant 0 : i32
      %dma_wait3A_254 = arith.constant 0 : i32
      %dma_wait3A_255 = tpu.memref_slice %arg6[%dma_wait3A_252, %dma_wait3A_253, %dma_wait3A_254] : memref<3x256x64xf32, #tpu.memory_space<vmem>> -> memref<1x256x64xf32, #tpu.memory_space<vmem>>
      %dma_wait3A_256 = tpu.memref_squeeze %dma_wait3A_255 : memref<1x256x64xf32, #tpu.memory_space<vmem>> -> memref<256x64xf32, #tpu.memory_space<vmem>>
      %dma_wait3A_257 = arith.constant 128 : i32
      %dma_wait3A_258 = arith.constant 0 : i32
      %dma_wait3A_259 = tpu.memref_slice %dma_wait3A_256[%dma_wait3A_257, %dma_wait3A_258] : memref<256x64xf32, #tpu.memory_space<vmem>> -> memref<128x64xf32, #tpu.memory_space<vmem>>
      %dma_wait3A_260 = arith.constant 0 : i32
      %dma_wait3A_261 = tpu.memref_slice %arg5[%add3A_251, %dma_wait3A_260] : memref<200x128xi32, #tpu.memory_space<vmem>> -> memref<1x128xi32, #tpu.memory_space<vmem>>
      %dma_wait3A_262 = tpu.memref_squeeze %dma_wait3A_261 : memref<1x128xi32, #tpu.memory_space<vmem>> -> memref<128xi32, #tpu.memory_space<vmem>>
      %dma_wait3A_263 = arith.constant 0 : i32
      %dma_wait3A_264 = arith.constant 0 : i32
      %dma_wait3A_265 = tpu.memref_slice %arg3[%dma_wait3A_263, %dma_wait3A_264] : memref<1000000x64xf32, #tpu.memory_space<hbm>> -> memref<1000000x64xf32, #tpu.memory_space<hbm>>
      tpu.wait_indirect_dma semaphore(%arg8 : memref<!tpu.dma_semaphore, #tpu.memory_space<semaphore_mem>>) src(%dma_wait3A_265 : memref<1000000x64xf32, #tpu.memory_space<hbm>>) dst(%dma_wait3A_259 : memref<128x64xf32, #tpu.memory_space<vmem>>)
      %mul3A_266 = arith.constant 256 : i32
      %mul3A_267 = arith.muli %add3A_229, %mul3A_266 : i32
      %add3A_268 = arith.addi %mul3A_4, %mul3A_267 : i32
      %dma_start3A_269 = arith.constant 1 : i32
      %dma_start3A_270 = arith.constant 0 : i32
      %dma_start3A_271 = arith.constant 0 : i32
      %dma_start3A_272 = tpu.memref_slice %arg6[%dma_start3A_269, %dma_start3A_270, %dma_start3A_271] : memref<3x256x64xf32, #tpu.memory_space<vmem>> -> memref<1x256x64xf32, #tpu.memory_space<vmem>>
      %dma_start3A_273 = tpu.memref_squeeze %dma_start3A_272 : memref<1x256x64xf32, #tpu.memory_space<vmem>> -> memref<256x64xf32, #tpu.memory_space<vmem>>
      %dma_start3A_274 = arith.constant 0 : i32
      %dma_start3A_275 = tpu.memref_slice %arg4[%add3A_268, %dma_start3A_274] : memref<819200x64xf32, #tpu.memory_space<hbm>> -> memref<256x64xf32, #tpu.memory_space<hbm>>
      %dma_start3A_276 = arith.constant 0 : i32
      %dma_start3A_277 = tpu.memref_slice %arg4[%add3A_268, %dma_start3A_276] : memref<819200x64xf32, #tpu.memory_space<hbm>> -> memref<256x64xf32, #tpu.memory_space<hbm>>
      %dma_start3A_278 = arith.constant 0 : i32
      %dma_start3A_279 = arith.constant 0 : i32
      %dma_start3A_280 = tpu.memref_slice %arg6[%dma_start3A_269, %dma_start3A_278, %dma_start3A_279] : memref<3x256x64xf32, #tpu.memory_space<vmem>> -> memref<1x256x64xf32, #tpu.memory_space<vmem>>
      %dma_start3A_281 = tpu.memref_squeeze %dma_start3A_280 : memref<1x256x64xf32, #tpu.memory_space<vmem>> -> memref<256x64xf32, #tpu.memory_space<vmem>>
      tpu.enqueue_dma source(%dma_start3A_281 : memref<256x64xf32, #tpu.memory_space<vmem>>) target(%dma_start3A_277 : memref<256x64xf32, #tpu.memory_space<hbm>>) target_semaphore(%arg11 : memref<!tpu.dma_semaphore, #tpu.memory_space<semaphore_mem>>)
      %ge3A_282 = arith.constant 1 : i32
      %ge3A_283 = arith.cmpi sge, %add3A_229, %ge3A_282 : i32
      %add3A_284 = arith.constant 2 : i32
      %add3A_285 = arith.addi %add3A_229, %add3A_284 : i32
      %lt3A_286 = arith.constant 100 : i32
      %lt3A_287 = arith.cmpi slt, %add3A_285, %lt3A_286 : i32
      %and3A_288 = arith.andi %ge3A_283, %lt3A_287 : i1
      %convert_element_type3A_289 = arith.extui %and3A_288 : i1 to i32
      %cond3A_290 = arith.constant 0 : i32
      %cond3A_291 = arith.cmpi ne, %convert_element_type3A_289, %cond3A_290 : i32
      scf.if %cond3A_291 {
        %sub3A = arith.constant 1 : i32
        %sub3A_372 = arith.subi %add3A_229, %sub3A : i32
        %mul3A_373 = arith.constant 256 : i32
        %mul3A_374 = arith.muli %sub3A_372, %mul3A_373 : i32
        %add3A_375 = arith.addi %mul3A_4, %mul3A_374 : i32
        %dma_wait3A_376 = arith.constant 0 : i32
        %dma_wait3A_377 = arith.constant 0 : i32
        %dma_wait3A_378 = arith.constant 0 : i32
        %dma_wait3A_379 = tpu.memref_slice %arg6[%dma_wait3A_376, %dma_wait3A_377, %dma_wait3A_378] : memref<3x256x64xf32, #tpu.memory_space<vmem>> -> memref<1x256x64xf32, #tpu.memory_space<vmem>>
        %dma_wait3A_380 = tpu.memref_squeeze %dma_wait3A_379 : memref<1x256x64xf32, #tpu.memory_space<vmem>> -> memref<256x64xf32, #tpu.memory_space<vmem>>
        %dma_wait3A_381 = arith.constant 0 : i32
        %dma_wait3A_382 = tpu.memref_slice %arg4[%add3A_375, %dma_wait3A_381] : memref<819200x64xf32, #tpu.memory_space<hbm>> -> memref<256x64xf32, #tpu.memory_space<hbm>>
        %dma_wait3A_383 = arith.constant 0 : i32
        %dma_wait3A_384 = tpu.memref_slice %arg4[%add3A_375, %dma_wait3A_383] : memref<819200x64xf32, #tpu.memory_space<hbm>> -> memref<256x64xf32, #tpu.memory_space<hbm>>
        %dma_wait3A_385 = arith.constant 0 : i32
        %dma_wait3A_386 = arith.constant 0 : i32
        %dma_wait3A_387 = tpu.memref_slice %arg6[%dma_wait3A_376, %dma_wait3A_385, %dma_wait3A_386] : memref<3x256x64xf32, #tpu.memory_space<vmem>> -> memref<1x256x64xf32, #tpu.memory_space<vmem>>
        %dma_wait3A_388 = tpu.memref_squeeze %dma_wait3A_387 : memref<1x256x64xf32, #tpu.memory_space<vmem>> -> memref<256x64xf32, #tpu.memory_space<vmem>>
        tpu.wait_dma2 semaphore(%arg10 : memref<!tpu.dma_semaphore, #tpu.memory_space<semaphore_mem>>) src(%dma_wait3A_388 : memref<256x64xf32, #tpu.memory_space<vmem>>) dst(%dma_wait3A_384 : memref<256x64xf32, #tpu.memory_space<hbm>>)
      } else {
      }
      %add3A_292 = arith.constant 2 : i32
      %add3A_293 = arith.addi %add3A_229, %add3A_292 : i32
      %lt3A_294 = arith.constant 100 : i32
      %lt3A_295 = arith.cmpi slt, %add3A_293, %lt3A_294 : i32
      %convert_element_type3A_296 = arith.extui %lt3A_295 : i1 to i32
      %cond3A_297 = arith.constant 0 : i32
      %cond3A_298 = arith.cmpi ne, %convert_element_type3A_296, %cond3A_297 : i32
      scf.if %cond3A_298 {
        %add3A_372 = arith.constant 2 : i32
        %add3A_373 = arith.addi %add3A_229, %add3A_372 : i32
        %mul3A_374 = arith.constant 2 : i32
        %mul3A_375 = arith.muli %add3A_373, %mul3A_374 : i32
        %add3A_376 = arith.constant 0 : i32
        %add3A_377 = arith.addi %mul3A_375, %add3A_376 : i32
        %dma_start3A_378 = arith.constant 0 : i32
        %dma_start3A_379 = arith.constant 0 : i32
        %dma_start3A_380 = arith.constant 0 : i32
        %dma_start3A_381 = tpu.memref_slice %arg6[%dma_start3A_378, %dma_start3A_379, %dma_start3A_380] : memref<3x256x64xf32, #tpu.memory_space<vmem>> -> memref<1x256x64xf32, #tpu.memory_space<vmem>>
        %dma_start3A_382 = tpu.memref_squeeze %dma_start3A_381 : memref<1x256x64xf32, #tpu.memory_space<vmem>> -> memref<256x64xf32, #tpu.memory_space<vmem>>
        %dma_start3A_383 = arith.constant 0 : i32
        %dma_start3A_384 = arith.constant 0 : i32
        %dma_start3A_385 = tpu.memref_slice %dma_start3A_382[%dma_start3A_383, %dma_start3A_384] : memref<256x64xf32, #tpu.memory_space<vmem>> -> memref<128x64xf32, #tpu.memory_space<vmem>>
        %dma_start3A_386 = arith.constant 0 : i32
        %dma_start3A_387 = tpu.memref_slice %arg5[%add3A_377, %dma_start3A_386] : memref<200x128xi32, #tpu.memory_space<vmem>> -> memref<1x128xi32, #tpu.memory_space<vmem>>
        %dma_start3A_388 = tpu.memref_squeeze %dma_start3A_387 : memref<1x128xi32, #tpu.memory_space<vmem>> -> memref<128xi32, #tpu.memory_space<vmem>>
        %dma_start3A_389 = arith.constant 0 : i32
        %dma_start3A_390 = arith.constant 0 : i32
        %dma_start3A_391 = tpu.memref_slice %arg3[%dma_start3A_389, %dma_start3A_390] : memref<1000000x64xf32, #tpu.memory_space<hbm>> -> memref<1000000x64xf32, #tpu.memory_space<hbm>>
        tpu.enqueue_indirect_dma source(%dma_start3A_391 : memref<1000000x64xf32, #tpu.memory_space<hbm>>) target(%dma_start3A_385 : memref<128x64xf32, #tpu.memory_space<vmem>>) offsets(%dma_start3A_388 : memref<128xi32, #tpu.memory_space<vmem>>) semaphore(%arg7 : memref<!tpu.dma_semaphore, #tpu.memory_space<semaphore_mem>>)
        %mul3A_392 = arith.constant 2 : i32
        %mul3A_393 = arith.muli %add3A_373, %mul3A_392 : i32
        %add3A_394 = arith.constant 1 : i32
        %add3A_395 = arith.addi %mul3A_393, %add3A_394 : i32
        %dma_start3A_396 = arith.constant 0 : i32
        %dma_start3A_397 = arith.constant 0 : i32
        %dma_start3A_398 = arith.constant 0 : i32
        %dma_start3A_399 = tpu.memref_slice %arg6[%dma_start3A_396, %dma_start3A_397, %dma_start3A_398] : memref<3x256x64xf32, #tpu.memory_space<vmem>> -> memref<1x256x64xf32, #tpu.memory_space<vmem>>
        %dma_start3A_400 = tpu.memref_squeeze %dma_start3A_399 : memref<1x256x64xf32, #tpu.memory_space<vmem>> -> memref<256x64xf32, #tpu.memory_space<vmem>>
        %dma_start3A_401 = arith.constant 128 : i32
        %dma_start3A_402 = arith.constant 0 : i32
        %dma_start3A_403 = tpu.memref_slice %dma_start3A_400[%dma_start3A_401, %dma_start3A_402] : memref<256x64xf32, #tpu.memory_space<vmem>> -> memref<128x64xf32, #tpu.memory_space<vmem>>
        %dma_start3A_404 = arith.constant 0 : i32
        %dma_start3A_405 = tpu.memref_slice %arg5[%add3A_395, %dma_start3A_404] : memref<200x128xi32, #tpu.memory_space<vmem>> -> memref<1x128xi32, #tpu.memory_space<vmem>>
        %dma_start3A_406 = tpu.memref_squeeze %dma_start3A_405 : memref<1x128xi32, #tpu.memory_space<vmem>> -> memref<128xi32, #tpu.memory_space<vmem>>
        %dma_start3A_407 = arith.constant 0 : i32
        %dma_start3A_408 = arith.constant 0 : i32
        %dma_start3A_409 = tpu.memref_slice %arg3[%dma_start3A_407, %dma_start3A_408] : memref<1000000x64xf32, #tpu.memory_space<hbm>> -> memref<1000000x64xf32, #tpu.memory_space<hbm>>
        tpu.enqueue_indirect_dma source(%dma_start3A_409 : memref<1000000x64xf32, #tpu.memory_space<hbm>>) target(%dma_start3A_403 : memref<128x64xf32, #tpu.memory_space<vmem>>) offsets(%dma_start3A_406 : memref<128xi32, #tpu.memory_space<vmem>>) semaphore(%arg7 : memref<!tpu.dma_semaphore, #tpu.memory_space<semaphore_mem>>)
      } else {
      }
      %mul3A_299 = arith.constant 3 : i32
      %mul3A_300 = arith.muli %scan3A_157, %mul3A_299 : i32
      %add3A_301 = arith.constant 2 : i32
      %add3A_302 = arith.addi %mul3A_300, %add3A_301 : i32
      %mul3A_303 = arith.constant 2 : i32
      %mul3A_304 = arith.muli %add3A_302, %mul3A_303 : i32
      %add3A_305 = arith.constant 0 : i32
      %add3A_306 = arith.addi %mul3A_304, %add3A_305 : i32
      %dma_wait3A_307 = arith.constant 2 : i32
      %dma_wait3A_308 = arith.constant 0 : i32
      %dma_wait3A_309 = arith.constant 0 : i32
      %dma_wait3A_310 = tpu.memref_slice %arg6[%dma_wait3A_307, %dma_wait3A_308, %dma_wait3A_309] : memref<3x256x64xf32, #tpu.memory_space<vmem>> -> memref<1x256x64xf32, #tpu.memory_space<vmem>>
      %dma_wait3A_311 = tpu.memref_squeeze %dma_wait3A_310 : memref<1x256x64xf32, #tpu.memory_space<vmem>> -> memref<256x64xf32, #tpu.memory_space<vmem>>
      %dma_wait3A_312 = arith.constant 0 : i32
      %dma_wait3A_313 = arith.constant 0 : i32
      %dma_wait3A_314 = tpu.memref_slice %dma_wait3A_311[%dma_wait3A_312, %dma_wait3A_313] : memref<256x64xf32, #tpu.memory_space<vmem>> -> memref<128x64xf32, #tpu.memory_space<vmem>>
      %dma_wait3A_315 = arith.constant 0 : i32
      %dma_wait3A_316 = tpu.memref_slice %arg5[%add3A_306, %dma_wait3A_315] : memref<200x128xi32, #tpu.memory_space<vmem>> -> memref<1x128xi32, #tpu.memory_space<vmem>>
      %dma_wait3A_317 = tpu.memref_squeeze %dma_wait3A_316 : memref<1x128xi32, #tpu.memory_space<vmem>> -> memref<128xi32, #tpu.memory_space<vmem>>
      %dma_wait3A_318 = arith.constant 0 : i32
      %dma_wait3A_319 = arith.constant 0 : i32
      %dma_wait3A_320 = tpu.memref_slice %arg3[%dma_wait3A_318, %dma_wait3A_319] : memref<1000000x64xf32, #tpu.memory_space<hbm>> -> memref<1000000x64xf32, #tpu.memory_space<hbm>>
      tpu.wait_indirect_dma semaphore(%arg9 : memref<!tpu.dma_semaphore, #tpu.memory_space<semaphore_mem>>) src(%dma_wait3A_320 : memref<1000000x64xf32, #tpu.memory_space<hbm>>) dst(%dma_wait3A_314 : memref<128x64xf32, #tpu.memory_space<vmem>>)
      %mul3A_321 = arith.constant 2 : i32
      %mul3A_322 = arith.muli %add3A_302, %mul3A_321 : i32
      %add3A_323 = arith.constant 1 : i32
      %add3A_324 = arith.addi %mul3A_322, %add3A_323 : i32
      %dma_wait3A_325 = arith.constant 2 : i32
      %dma_wait3A_326 = arith.constant 0 : i32
      %dma_wait3A_327 = arith.constant 0 : i32
      %dma_wait3A_328 = tpu.memref_slice %arg6[%dma_wait3A_325, %dma_wait3A_326, %dma_wait3A_327] : memref<3x256x64xf32, #tpu.memory_space<vmem>> -> memref<1x256x64xf32, #tpu.memory_space<vmem>>
      %dma_wait3A_329 = tpu.memref_squeeze %dma_wait3A_328 : memref<1x256x64xf32, #tpu.memory_space<vmem>> -> memref<256x64xf32, #tpu.memory_space<vmem>>
      %dma_wait3A_330 = arith.constant 128 : i32
      %dma_wait3A_331 = arith.constant 0 : i32
      %dma_wait3A_332 = tpu.memref_slice %dma_wait3A_329[%dma_wait3A_330, %dma_wait3A_331] : memref<256x64xf32, #tpu.memory_space<vmem>> -> memref<128x64xf32, #tpu.memory_space<vmem>>
      %dma_wait3A_333 = arith.constant 0 : i32
      %dma_wait3A_334 = tpu.memref_slice %arg5[%add3A_324, %dma_wait3A_333] : memref<200x128xi32, #tpu.memory_space<vmem>> -> memref<1x128xi32, #tpu.memory_space<vmem>>
      %dma_wait3A_335 = tpu.memref_squeeze %dma_wait3A_334 : memref<1x128xi32, #tpu.memory_space<vmem>> -> memref<128xi32, #tpu.memory_space<vmem>>
      %dma_wait3A_336 = arith.constant 0 : i32
      %dma_wait3A_337 = arith.constant 0 : i32
      %dma_wait3A_338 = tpu.memref_slice %arg3[%dma_wait3A_336, %dma_wait3A_337] : memref<1000000x64xf32, #tpu.memory_space<hbm>> -> memref<1000000x64xf32, #tpu.memory_space<hbm>>
      tpu.wait_indirect_dma semaphore(%arg9 : memref<!tpu.dma_semaphore, #tpu.memory_space<semaphore_mem>>) src(%dma_wait3A_338 : memref<1000000x64xf32, #tpu.memory_space<hbm>>) dst(%dma_wait3A_332 : memref<128x64xf32, #tpu.memory_space<vmem>>)
      %mul3A_339 = arith.constant 256 : i32
      %mul3A_340 = arith.muli %add3A_302, %mul3A_339 : i32
      %add3A_341 = arith.addi %mul3A_4, %mul3A_340 : i32
      %dma_start3A_342 = arith.constant 2 : i32
      %dma_start3A_343 = arith.constant 0 : i32
      %dma_start3A_344 = arith.constant 0 : i32
      %dma_start3A_345 = tpu.memref_slice %arg6[%dma_start3A_342, %dma_start3A_343, %dma_start3A_344] : memref<3x256x64xf32, #tpu.memory_space<vmem>> -> memref<1x256x64xf32, #tpu.memory_space<vmem>>
      %dma_start3A_346 = tpu.memref_squeeze %dma_start3A_345 : memref<1x256x64xf32, #tpu.memory_space<vmem>> -> memref<256x64xf32, #tpu.memory_space<vmem>>
      %dma_start3A_347 = arith.constant 0 : i32
      %dma_start3A_348 = tpu.memref_slice %arg4[%add3A_341, %dma_start3A_347] : memref<819200x64xf32, #tpu.memory_space<hbm>> -> memref<256x64xf32, #tpu.memory_space<hbm>>
      %dma_start3A_349 = arith.constant 0 : i32
      %dma_start3A_350 = tpu.memref_slice %arg4[%add3A_341, %dma_start3A_349] : memref<819200x64xf32, #tpu.memory_space<hbm>> -> memref<256x64xf32, #tpu.memory_space<hbm>>
      %dma_start3A_351 = arith.constant 0 : i32
      %dma_start3A_352 = arith.constant 0 : i32
      %dma_start3A_353 = tpu.memref_slice %arg6[%dma_start3A_342, %dma_start3A_351, %dma_start3A_352] : memref<3x256x64xf32, #tpu.memory_space<vmem>> -> memref<1x256x64xf32, #tpu.memory_space<vmem>>
      %dma_start3A_354 = tpu.memref_squeeze %dma_start3A_353 : memref<1x256x64xf32, #tpu.memory_space<vmem>> -> memref<256x64xf32, #tpu.memory_space<vmem>>
      tpu.enqueue_dma source(%dma_start3A_354 : memref<256x64xf32, #tpu.memory_space<vmem>>) target(%dma_start3A_350 : memref<256x64xf32, #tpu.memory_space<hbm>>) target_semaphore(%arg12 : memref<!tpu.dma_semaphore, #tpu.memory_space<semaphore_mem>>)
      %ge3A_355 = arith.constant 1 : i32
      %ge3A_356 = arith.cmpi sge, %add3A_302, %ge3A_355 : i32
      %add3A_357 = arith.constant 2 : i32
      %add3A_358 = arith.addi %add3A_302, %add3A_357 : i32
      %lt3A_359 = arith.constant 100 : i32
      %lt3A_360 = arith.cmpi slt, %add3A_358, %lt3A_359 : i32
      %and3A_361 = arith.andi %ge3A_356, %lt3A_360 : i1
      %convert_element_type3A_362 = arith.extui %and3A_361 : i1 to i32
      %cond3A_363 = arith.constant 0 : i32
      %cond3A_364 = arith.cmpi ne, %convert_element_type3A_362, %cond3A_363 : i32
      scf.if %cond3A_364 {
        %sub3A = arith.constant 1 : i32
        %sub3A_372 = arith.subi %add3A_302, %sub3A : i32
        %mul3A_373 = arith.constant 256 : i32
        %mul3A_374 = arith.muli %sub3A_372, %mul3A_373 : i32
        %add3A_375 = arith.addi %mul3A_4, %mul3A_374 : i32
        %dma_wait3A_376 = arith.constant 1 : i32
        %dma_wait3A_377 = arith.constant 0 : i32
        %dma_wait3A_378 = arith.constant 0 : i32
        %dma_wait3A_379 = tpu.memref_slice %arg6[%dma_wait3A_376, %dma_wait3A_377, %dma_wait3A_378] : memref<3x256x64xf32, #tpu.memory_space<vmem>> -> memref<1x256x64xf32, #tpu.memory_space<vmem>>
        %dma_wait3A_380 = tpu.memref_squeeze %dma_wait3A_379 : memref<1x256x64xf32, #tpu.memory_space<vmem>> -> memref<256x64xf32, #tpu.memory_space<vmem>>
        %dma_wait3A_381 = arith.constant 0 : i32
        %dma_wait3A_382 = tpu.memref_slice %arg4[%add3A_375, %dma_wait3A_381] : memref<819200x64xf32, #tpu.memory_space<hbm>> -> memref<256x64xf32, #tpu.memory_space<hbm>>
        %dma_wait3A_383 = arith.constant 0 : i32
        %dma_wait3A_384 = tpu.memref_slice %arg4[%add3A_375, %dma_wait3A_383] : memref<819200x64xf32, #tpu.memory_space<hbm>> -> memref<256x64xf32, #tpu.memory_space<hbm>>
        %dma_wait3A_385 = arith.constant 0 : i32
        %dma_wait3A_386 = arith.constant 0 : i32
        %dma_wait3A_387 = tpu.memref_slice %arg6[%dma_wait3A_376, %dma_wait3A_385, %dma_wait3A_386] : memref<3x256x64xf32, #tpu.memory_space<vmem>> -> memref<1x256x64xf32, #tpu.memory_space<vmem>>
        %dma_wait3A_388 = tpu.memref_squeeze %dma_wait3A_387 : memref<1x256x64xf32, #tpu.memory_space<vmem>> -> memref<256x64xf32, #tpu.memory_space<vmem>>
        tpu.wait_dma2 semaphore(%arg11 : memref<!tpu.dma_semaphore, #tpu.memory_space<semaphore_mem>>) src(%dma_wait3A_388 : memref<256x64xf32, #tpu.memory_space<vmem>>) dst(%dma_wait3A_384 : memref<256x64xf32, #tpu.memory_space<hbm>>)
      } else {
      }
      %add3A_365 = arith.constant 2 : i32
      %add3A_366 = arith.addi %add3A_302, %add3A_365 : i32
      %lt3A_367 = arith.constant 100 : i32
      %lt3A_368 = arith.cmpi slt, %add3A_366, %lt3A_367 : i32
      %convert_element_type3A_369 = arith.extui %lt3A_368 : i1 to i32
      %cond3A_370 = arith.constant 0 : i32
      %cond3A_371 = arith.cmpi ne, %convert_element_type3A_369, %cond3A_370 : i32
      scf.if %cond3A_371 {
        %add3A_372 = arith.constant 2 : i32
        %add3A_373 = arith.addi %add3A_302, %add3A_372 : i32
        %mul3A_374 = arith.constant 2 : i32
        %mul3A_375 = arith.muli %add3A_373, %mul3A_374 : i32
        %add3A_376 = arith.constant 0 : i32
        %add3A_377 = arith.addi %mul3A_375, %add3A_376 : i32
        %dma_start3A_378 = arith.constant 1 : i32
        %dma_start3A_379 = arith.constant 0 : i32
        %dma_start3A_380 = arith.constant 0 : i32
        %dma_start3A_381 = tpu.memref_slice %arg6[%dma_start3A_378, %dma_start3A_379, %dma_start3A_380] : memref<3x256x64xf32, #tpu.memory_space<vmem>> -> memref<1x256x64xf32, #tpu.memory_space<vmem>>
        %dma_start3A_382 = tpu.memref_squeeze %dma_start3A_381 : memref<1x256x64xf32, #tpu.memory_space<vmem>> -> memref<256x64xf32, #tpu.memory_space<vmem>>
        %dma_start3A_383 = arith.constant 0 : i32
        %dma_start3A_384 = arith.constant 0 : i32
        %dma_start3A_385 = tpu.memref_slice %dma_start3A_382[%dma_start3A_383, %dma_start3A_384] : memref<256x64xf32, #tpu.memory_space<vmem>> -> memref<128x64xf32, #tpu.memory_space<vmem>>
        %dma_start3A_386 = arith.constant 0 : i32
        %dma_start3A_387 = tpu.memref_slice %arg5[%add3A_377, %dma_start3A_386] : memref<200x128xi32, #tpu.memory_space<vmem>> -> memref<1x128xi32, #tpu.memory_space<vmem>>
        %dma_start3A_388 = tpu.memref_squeeze %dma_start3A_387 : memref<1x128xi32, #tpu.memory_space<vmem>> -> memref<128xi32, #tpu.memory_space<vmem>>
        %dma_start3A_389 = arith.constant 0 : i32
        %dma_start3A_390 = arith.constant 0 : i32
        %dma_start3A_391 = tpu.memref_slice %arg3[%dma_start3A_389, %dma_start3A_390] : memref<1000000x64xf32, #tpu.memory_space<hbm>> -> memref<1000000x64xf32, #tpu.memory_space<hbm>>
        tpu.enqueue_indirect_dma source(%dma_start3A_391 : memref<1000000x64xf32, #tpu.memory_space<hbm>>) target(%dma_start3A_385 : memref<128x64xf32, #tpu.memory_space<vmem>>) offsets(%dma_start3A_388 : memref<128xi32, #tpu.memory_space<vmem>>) semaphore(%arg8 : memref<!tpu.dma_semaphore, #tpu.memory_space<semaphore_mem>>)
        %mul3A_392 = arith.constant 2 : i32
        %mul3A_393 = arith.muli %add3A_373, %mul3A_392 : i32
        %add3A_394 = arith.constant 1 : i32
        %add3A_395 = arith.addi %mul3A_393, %add3A_394 : i32
        %dma_start3A_396 = arith.constant 1 : i32
        %dma_start3A_397 = arith.constant 0 : i32
        %dma_start3A_398 = arith.constant 0 : i32
        %dma_start3A_399 = tpu.memref_slice %arg6[%dma_start3A_396, %dma_start3A_397, %dma_start3A_398] : memref<3x256x64xf32, #tpu.memory_space<vmem>> -> memref<1x256x64xf32, #tpu.memory_space<vmem>>
        %dma_start3A_400 = tpu.memref_squeeze %dma_start3A_399 : memref<1x256x64xf32, #tpu.memory_space<vmem>> -> memref<256x64xf32, #tpu.memory_space<vmem>>
        %dma_start3A_401 = arith.constant 128 : i32
        %dma_start3A_402 = arith.constant 0 : i32
        %dma_start3A_403 = tpu.memref_slice %dma_start3A_400[%dma_start3A_401, %dma_start3A_402] : memref<256x64xf32, #tpu.memory_space<vmem>> -> memref<128x64xf32, #tpu.memory_space<vmem>>
        %dma_start3A_404 = arith.constant 0 : i32
        %dma_start3A_405 = tpu.memref_slice %arg5[%add3A_395, %dma_start3A_404] : memref<200x128xi32, #tpu.memory_space<vmem>> -> memref<1x128xi32, #tpu.memory_space<vmem>>
        %dma_start3A_406 = tpu.memref_squeeze %dma_start3A_405 : memref<1x128xi32, #tpu.memory_space<vmem>> -> memref<128xi32, #tpu.memory_space<vmem>>
        %dma_start3A_407 = arith.constant 0 : i32
        %dma_start3A_408 = arith.constant 0 : i32
        %dma_start3A_409 = tpu.memref_slice %arg3[%dma_start3A_407, %dma_start3A_408] : memref<1000000x64xf32, #tpu.memory_space<hbm>> -> memref<1000000x64xf32, #tpu.memory_space<hbm>>
        tpu.enqueue_indirect_dma source(%dma_start3A_409 : memref<1000000x64xf32, #tpu.memory_space<hbm>>) target(%dma_start3A_403 : memref<128x64xf32, #tpu.memory_space<vmem>>) offsets(%dma_start3A_406 : memref<128xi32, #tpu.memory_space<vmem>>) semaphore(%arg8 : memref<!tpu.dma_semaphore, #tpu.memory_space<semaphore_mem>>)
      } else {
      }
    }
    %scan3A_67 = arith.constant 33 : i32
    %dma_wait3A = arith.constant 198 : i32
    %dma_wait3A_68 = arith.constant 0 : i32
    %dma_wait3A_69 = arith.constant 0 : i32
    %dma_wait3A_70 = arith.constant 0 : i32
    %dma_wait3A_71 = tpu.memref_slice %arg6[%dma_wait3A_68, %dma_wait3A_69, %dma_wait3A_70] : memref<3x256x64xf32, #tpu.memory_space<vmem>> -> memref<1x256x64xf32, #tpu.memory_space<vmem>>
    %dma_wait3A_72 = tpu.memref_squeeze %dma_wait3A_71 : memref<1x256x64xf32, #tpu.memory_space<vmem>> -> memref<256x64xf32, #tpu.memory_space<vmem>>
    %dma_wait3A_73 = arith.constant 0 : i32
    %dma_wait3A_74 = arith.constant 0 : i32
    %dma_wait3A_75 = tpu.memref_slice %dma_wait3A_72[%dma_wait3A_73, %dma_wait3A_74] : memref<256x64xf32, #tpu.memory_space<vmem>> -> memref<128x64xf32, #tpu.memory_space<vmem>>
    %dma_wait3A_76 = arith.constant 0 : i32
    %dma_wait3A_77 = tpu.memref_slice %arg5[%dma_wait3A, %dma_wait3A_76] : memref<200x128xi32, #tpu.memory_space<vmem>> -> memref<1x128xi32, #tpu.memory_space<vmem>>
    %dma_wait3A_78 = tpu.memref_squeeze %dma_wait3A_77 : memref<1x128xi32, #tpu.memory_space<vmem>> -> memref<128xi32, #tpu.memory_space<vmem>>
    %dma_wait3A_79 = arith.constant 0 : i32
    %dma_wait3A_80 = arith.constant 0 : i32
    %dma_wait3A_81 = tpu.memref_slice %arg3[%dma_wait3A_79, %dma_wait3A_80] : memref<1000000x64xf32, #tpu.memory_space<hbm>> -> memref<1000000x64xf32, #tpu.memory_space<hbm>>
    tpu.wait_indirect_dma semaphore(%arg7 : memref<!tpu.dma_semaphore, #tpu.memory_space<semaphore_mem>>) src(%dma_wait3A_81 : memref<1000000x64xf32, #tpu.memory_space<hbm>>) dst(%dma_wait3A_75 : memref<128x64xf32, #tpu.memory_space<vmem>>)
    %dma_wait3A_82 = arith.constant 199 : i32
    %dma_wait3A_83 = arith.constant 0 : i32
    %dma_wait3A_84 = arith.constant 0 : i32
    %dma_wait3A_85 = arith.constant 0 : i32
    %dma_wait3A_86 = tpu.memref_slice %arg6[%dma_wait3A_83, %dma_wait3A_84, %dma_wait3A_85] : memref<3x256x64xf32, #tpu.memory_space<vmem>> -> memref<1x256x64xf32, #tpu.memory_space<vmem>>
    %dma_wait3A_87 = tpu.memref_squeeze %dma_wait3A_86 : memref<1x256x64xf32, #tpu.memory_space<vmem>> -> memref<256x64xf32, #tpu.memory_space<vmem>>
    %dma_wait3A_88 = arith.constant 128 : i32
    %dma_wait3A_89 = arith.constant 0 : i32
    %dma_wait3A_90 = tpu.memref_slice %dma_wait3A_87[%dma_wait3A_88, %dma_wait3A_89] : memref<256x64xf32, #tpu.memory_space<vmem>> -> memref<128x64xf32, #tpu.memory_space<vmem>>
    %dma_wait3A_91 = arith.constant 0 : i32
    %dma_wait3A_92 = tpu.memref_slice %arg5[%dma_wait3A_82, %dma_wait3A_91] : memref<200x128xi32, #tpu.memory_space<vmem>> -> memref<1x128xi32, #tpu.memory_space<vmem>>
    %dma_wait3A_93 = tpu.memref_squeeze %dma_wait3A_92 : memref<1x128xi32, #tpu.memory_space<vmem>> -> memref<128xi32, #tpu.memory_space<vmem>>
    %dma_wait3A_94 = arith.constant 0 : i32
    %dma_wait3A_95 = arith.constant 0 : i32
    %dma_wait3A_96 = tpu.memref_slice %arg3[%dma_wait3A_94, %dma_wait3A_95] : memref<1000000x64xf32, #tpu.memory_space<hbm>> -> memref<1000000x64xf32, #tpu.memory_space<hbm>>
    tpu.wait_indirect_dma semaphore(%arg7 : memref<!tpu.dma_semaphore, #tpu.memory_space<semaphore_mem>>) src(%dma_wait3A_96 : memref<1000000x64xf32, #tpu.memory_space<hbm>>) dst(%dma_wait3A_90 : memref<128x64xf32, #tpu.memory_space<vmem>>)
    %add3A_97 = arith.constant 25344 : i32
    %add3A_98 = arith.addi %mul3A_4, %add3A_97 : i32
    %dma_start3A_99 = arith.constant 0 : i32
    %dma_start3A_100 = arith.constant 0 : i32
    %dma_start3A_101 = arith.constant 0 : i32
    %dma_start3A_102 = tpu.memref_slice %arg6[%dma_start3A_99, %dma_start3A_100, %dma_start3A_101] : memref<3x256x64xf32, #tpu.memory_space<vmem>> -> memref<1x256x64xf32, #tpu.memory_space<vmem>>
    %dma_start3A_103 = tpu.memref_squeeze %dma_start3A_102 : memref<1x256x64xf32, #tpu.memory_space<vmem>> -> memref<256x64xf32, #tpu.memory_space<vmem>>
    %dma_start3A_104 = arith.constant 0 : i32
    %dma_start3A_105 = tpu.memref_slice %arg4[%add3A_98, %dma_start3A_104] : memref<819200x64xf32, #tpu.memory_space<hbm>> -> memref<256x64xf32, #tpu.memory_space<hbm>>
    %dma_start3A_106 = arith.constant 0 : i32
    %dma_start3A_107 = tpu.memref_slice %arg4[%add3A_98, %dma_start3A_106] : memref<819200x64xf32, #tpu.memory_space<hbm>> -> memref<256x64xf32, #tpu.memory_space<hbm>>
    %dma_start3A_108 = arith.constant 0 : i32
    %dma_start3A_109 = arith.constant 0 : i32
    %dma_start3A_110 = tpu.memref_slice %arg6[%dma_start3A_99, %dma_start3A_108, %dma_start3A_109] : memref<3x256x64xf32, #tpu.memory_space<vmem>> -> memref<1x256x64xf32, #tpu.memory_space<vmem>>
    %dma_start3A_111 = tpu.memref_squeeze %dma_start3A_110 : memref<1x256x64xf32, #tpu.memory_space<vmem>> -> memref<256x64xf32, #tpu.memory_space<vmem>>
    tpu.enqueue_dma source(%dma_start3A_111 : memref<256x64xf32, #tpu.memory_space<vmem>>) target(%dma_start3A_107 : memref<256x64xf32, #tpu.memory_space<hbm>>) target_semaphore(%arg10 : memref<!tpu.dma_semaphore, #tpu.memory_space<semaphore_mem>>)
    %add3A_112 = arith.constant 24832 : i32
    %add3A_113 = arith.addi %mul3A_4, %add3A_112 : i32
    %dma_wait3A_114 = arith.constant 1 : i32
    %dma_wait3A_115 = arith.constant 0 : i32
    %dma_wait3A_116 = arith.constant 0 : i32
    %dma_wait3A_117 = tpu.memref_slice %arg6[%dma_wait3A_114, %dma_wait3A_115, %dma_wait3A_116] : memref<3x256x64xf32, #tpu.memory_space<vmem>> -> memref<1x256x64xf32, #tpu.memory_space<vmem>>
    %dma_wait3A_118 = tpu.memref_squeeze %dma_wait3A_117 : memref<1x256x64xf32, #tpu.memory_space<vmem>> -> memref<256x64xf32, #tpu.memory_space<vmem>>
    %dma_wait3A_119 = arith.constant 0 : i32
    %dma_wait3A_120 = tpu.memref_slice %arg4[%add3A_113, %dma_wait3A_119] : memref<819200x64xf32, #tpu.memory_space<hbm>> -> memref<256x64xf32, #tpu.memory_space<hbm>>
    %dma_wait3A_121 = arith.constant 0 : i32
    %dma_wait3A_122 = tpu.memref_slice %arg4[%add3A_113, %dma_wait3A_121] : memref<819200x64xf32, #tpu.memory_space<hbm>> -> memref<256x64xf32, #tpu.memory_space<hbm>>
    %dma_wait3A_123 = arith.constant 0 : i32
    %dma_wait3A_124 = arith.constant 0 : i32
    %dma_wait3A_125 = tpu.memref_slice %arg6[%dma_wait3A_114, %dma_wait3A_123, %dma_wait3A_124] : memref<3x256x64xf32, #tpu.memory_space<vmem>> -> memref<1x256x64xf32, #tpu.memory_space<vmem>>
    %dma_wait3A_126 = tpu.memref_squeeze %dma_wait3A_125 : memref<1x256x64xf32, #tpu.memory_space<vmem>> -> memref<256x64xf32, #tpu.memory_space<vmem>>
    tpu.wait_dma2 semaphore(%arg11 : memref<!tpu.dma_semaphore, #tpu.memory_space<semaphore_mem>>) src(%dma_wait3A_126 : memref<256x64xf32, #tpu.memory_space<vmem>>) dst(%dma_wait3A_122 : memref<256x64xf32, #tpu.memory_space<hbm>>)
    %add3A_127 = arith.constant 25088 : i32
    %add3A_128 = arith.addi %mul3A_4, %add3A_127 : i32
    %dma_wait3A_129 = arith.constant 2 : i32
    %dma_wait3A_130 = arith.constant 0 : i32
    %dma_wait3A_131 = arith.constant 0 : i32
    %dma_wait3A_132 = tpu.memref_slice %arg6[%dma_wait3A_129, %dma_wait3A_130, %dma_wait3A_131] : memref<3x256x64xf32, #tpu.memory_space<vmem>> -> memref<1x256x64xf32, #tpu.memory_space<vmem>>
    %dma_wait3A_133 = tpu.memref_squeeze %dma_wait3A_132 : memref<1x256x64xf32, #tpu.memory_space<vmem>> -> memref<256x64xf32, #tpu.memory_space<vmem>>
    %dma_wait3A_134 = arith.constant 0 : i32
    %dma_wait3A_135 = tpu.memref_slice %arg4[%add3A_128, %dma_wait3A_134] : memref<819200x64xf32, #tpu.memory_space<hbm>> -> memref<256x64xf32, #tpu.memory_space<hbm>>
    %dma_wait3A_136 = arith.constant 0 : i32
    %dma_wait3A_137 = tpu.memref_slice %arg4[%add3A_128, %dma_wait3A_136] : memref<819200x64xf32, #tpu.memory_space<hbm>> -> memref<256x64xf32, #tpu.memory_space<hbm>>
    %dma_wait3A_138 = arith.constant 0 : i32
    %dma_wait3A_139 = arith.constant 0 : i32
    %dma_wait3A_140 = tpu.memref_slice %arg6[%dma_wait3A_129, %dma_wait3A_138, %dma_wait3A_139] : memref<3x256x64xf32, #tpu.memory_space<vmem>> -> memref<1x256x64xf32, #tpu.memory_space<vmem>>
    %dma_wait3A_141 = tpu.memref_squeeze %dma_wait3A_140 : memref<1x256x64xf32, #tpu.memory_space<vmem>> -> memref<256x64xf32, #tpu.memory_space<vmem>>
    tpu.wait_dma2 semaphore(%arg12 : memref<!tpu.dma_semaphore, #tpu.memory_space<semaphore_mem>>) src(%dma_wait3A_141 : memref<256x64xf32, #tpu.memory_space<vmem>>) dst(%dma_wait3A_137 : memref<256x64xf32, #tpu.memory_space<hbm>>)
    %add3A_142 = arith.constant 25344 : i32
    %add3A_143 = arith.addi %mul3A_4, %add3A_142 : i32
    %dma_wait3A_144 = arith.constant 0 : i32
    %dma_wait3A_145 = arith.constant 0 : i32
    %dma_wait3A_146 = arith.constant 0 : i32
    %dma_wait3A_147 = tpu.memref_slice %arg6[%dma_wait3A_144, %dma_wait3A_145, %dma_wait3A_146] : memref<3x256x64xf32, #tpu.memory_space<vmem>> -> memref<1x256x64xf32, #tpu.memory_space<vmem>>
    %dma_wait3A_148 = tpu.memref_squeeze %dma_wait3A_147 : memref<1x256x64xf32, #tpu.memory_space<vmem>> -> memref<256x64xf32, #tpu.memory_space<vmem>>
    %dma_wait3A_149 = arith.constant 0 : i32
    %dma_wait3A_150 = tpu.memref_slice %arg4[%add3A_143, %dma_wait3A_149] : memref<819200x64xf32, #tpu.memory_space<hbm>> -> memref<256x64xf32, #tpu.memory_space<hbm>>
    %dma_wait3A_151 = arith.constant 0 : i32
    %dma_wait3A_152 = tpu.memref_slice %arg4[%add3A_143, %dma_wait3A_151] : memref<819200x64xf32, #tpu.memory_space<hbm>> -> memref<256x64xf32, #tpu.memory_space<hbm>>
    %dma_wait3A_153 = arith.constant 0 : i32
    %dma_wait3A_154 = arith.constant 0 : i32
    %dma_wait3A_155 = tpu.memref_slice %arg6[%dma_wait3A_144, %dma_wait3A_153, %dma_wait3A_154] : memref<3x256x64xf32, #tpu.memory_space<vmem>> -> memref<1x256x64xf32, #tpu.memory_space<vmem>>
    %dma_wait3A_156 = tpu.memref_squeeze %dma_wait3A_155 : memref<1x256x64xf32, #tpu.memory_space<vmem>> -> memref<256x64xf32, #tpu.memory_space<vmem>>
    tpu.wait_dma2 semaphore(%arg10 : memref<!tpu.dma_semaphore, #tpu.memory_space<semaphore_mem>>) src(%dma_wait3A_156 : memref<256x64xf32, #tpu.memory_space<vmem>>) dst(%dma_wait3A_152 : memref<256x64xf32, #tpu.memory_space<hbm>>)
    return
  }
}

</mosaic_0001>

<sc_bundles>
// kernel: kernel.3.cloned.1.call-start
scs
__scs_entry_jumppad:
0x0: {  	(pc) =	sbr.rel $0x88, $3  }
0x1: {  	(tag) =	ssettag $0x0;
	lr =	simm.s32 $0x1  }
0x2: {  	[smem:$0x3F9F] =	sst lr;
	_ =	strace $0xD0000000  }
0x3: {  	_ = 	snop  }
0x4: {  	_ = 	snop  }
0x5: {  	_ = 	snop  }
0x6: {  	_ = 	snop  }
0x7: {  	_ = 	snop  }
__scs_overlays_trampoline_lowered:
0x8: {  	[smem:$0x3FAE] =	sst s0  }
0x9: {  	[smem:$0x3FAF] =	sst s1  }
0xa: {  	[smem:$0x3FB0] =	sst s2  }
0xb: {  	[smem:$0x3FB1] =	sst s3  }
0xc: {  	[smem:$0x3FB2] =	sst s4  }
0xd: {  	[smem:$0x3FB3] =	sst s5  }
0xe: {  	[smem:$0x3FB4] =	sst s6  }
0xf: {  	[smem:$0x3FB5] =	sst s7  }
0x10: {  	[smem:$0x3FB6] =	sst s8  }
0x11: {  	[smem:$0x3FB7] =	sst s9;
	s0 =	simm.s32 @!p0 $0x0  }
0x12: {  	s1 =	sld [smem:$0x3F9D];
	s0 =	simm.s32 @p0 $0x1  }
0x13: {  	[smem:$0x3FB8] =	sst s0;
	s0 =	simm.s32 @!p1 $0x0  }
0x14: {  	s2 =	sld [smem:$0x3F9C];
	s0 =	simm.s32 @p1 $0x1  }
0x15: {  	[smem:$0x3FB9] =	sst s0;
	s0 =	simm.s32 @!p2 $0x0  }
0x16: {  	s3 =	sld [smem:$0x3FDB];
	s0 =	simm.s32 @p2 $0x1  }
0x17: {  	s4 =	simm.s32 $0x1BF5;
	[smem:$0x3FBB] =	sst s0  }
0x18: {  	s0 =	sld [smem:$0x3F9E];
	_ =	swait.ge [sflag:s4], $0x0  }
0x19: {  	s7 =	sld [smem:$0x3F9F]  }
0x1a: {  	s8 =	sadd.s32 $0xFFFFE003, lr  }
0x1b: {  	s9 =	sadd.s32 $0xFFFFFEF7, lr;
	s5 =	simm.s32 $0xFFFFFFFF;
	p2 =	slt.u32 s8, $0xFFFFF086  }
0x1c: {  	p1 =	slt.u32 s9, $0xF7A;
	s5 =	simm.s32 @!p2 $0x0  }
0x1d: {  	s5 =	simm.s32 @p1 $0x1;
	p0 =	seq.s32 s7, s2  }
0x1e: {  	s7 =	smul.u32 @!p0 $0xF7A, s2;
	p2 =	seq.s32 @!p0 s5, $0x0  }
0x1f: {  	s9 =	smul.u32 $0xF7A, s1;
	s8 =	simm.s32 @!p0 $0x1BF5;
	p2 =	por !p2, p0  }
0x20: {  	[sflag:s8] =	ssyncset.s32 @!p0 $0xFFFFF086;
	s6 =	sadd.s32 @!p0 s3, s7;
	s7 =	simm.s32 @!p0 $0x108  }
0x21: {  	s3 =	sadd.s32 s3, s9;
	s6 =	sadd.s32 @!p0 $0x88, s6;
	s7 =	simm.s32 @p2 $0x1082  }
0x22: {  	[simem:s7], [sflag:s8] =	dma.local @!p0 [hbm:s6], $0xF7A  }
0x23: {  	s9 =	sor.u32 $0xD0000000, s2;
	s6 =	simm.s32 $0x108;
	_ =	swait.ge @!p0 [sflag:s8], $0x0  }
0x24: {  	s3 =	sadd.s32 $0x88, s3;
	s6 =	simm.s32 @!p1 $0x1082;
	[sflag:s4] =	ssyncset.s32 $0xFFFFF086  }
0x25: {  	[simem:s6], [sflag:s4] =	dma.local [hbm:s3], $0xF7A  }
0x26: {  	[smem:$0x3F9F] =	sst s1;
	(tag) =	ssettag s2;
	_ =	strace s9  }
0x27: {  	s1 =	sld [smem:$0x3FAF]  }
0x28: {  	s2 =	sld [smem:$0x3FB0]  }
0x29: {  	s4 =	sld [smem:$0x3FB2]  }
0x2a: {  	p0 =	seq.s32 s5, $0x0;
	s5 =	sld [smem:$0x3FB3]  }
0x2b: {  	s6 =	sld [smem:$0x3FB4]  }
0x2c: {  	s7 =	sld [smem:$0x3FB5]  }
0x2d: {  	s3 =	simm.s32 $0x108;
	s8 =	sld [smem:$0x3FB6]  }
0x2e: {  	s3 =	simm.s32 @!p0 $0x1082;
	s9 =	sld [smem:$0x3FB7]  }
0x2f: {  	lr =	sadd.s32 s0, s3;
	s0 =	sld [smem:$0x3FAE]  }
0x30: {  	s3 =	sld [smem:$0x3FB1]  }
0x31: {  	[smem:$0x3FBA] =	sst s10  }
0x32: {  	s10 =	sld [smem:$0x3FB8];
	_ =	sdelay $0x3  }
0x33: {  	p0 =	seq.s32 s10, $0x1;
	s10 =	sld [smem:$0x3FBA];
	_ =	sdelay $0x3  }
0x34: {  	[smem:$0x3FBA] =	sst s10  }
0x35: {  	s10 =	sld [smem:$0x3FB9];
	_ =	sdelay $0x3  }
0x36: {  	p1 =	seq.s32 s10, $0x1;
	s10 =	sld [smem:$0x3FBA];
	_ =	sdelay $0x3  }
0x37: {  	[smem:$0x3FBA] =	sst s10  }
0x38: {  	s10 =	sld [smem:$0x3FBB]  }
0x39: {  	_ = 	snop;
	(pc) =	sbr.ind lr, $3  }
0x3a: {  	_ = 	snop  }
0x3b: {  	_ = 	snop  }
0x3c: {  	p2 =	seq.s32 s10, $0x1;
	s10 =	sld [smem:$0x3FBA]  }
0x3d: {  	_ =	shalt  }
0x3e: {  	_ =	shalt  }
0x3f: {  	_ =	shalt  }
0x40: {  	_ =	shalt  }
0x41: {  	_ =	shalt  }
0x42: {  	_ =	shalt  }
0x43: {  	_ =	shalt  }
0x44: {  	_ =	shalt  }
0x45: {  	_ =	shalt  }
0x46: {  	_ =	shalt  }
0x47: {  	_ =	shalt  }
0x48: {  	_ =	shalt  }
0x49: {  	_ =	shalt  }
0x4a: {  	_ =	shalt  }
0x4b: {  	_ =	shalt  }
0x4c: {  	_ =	shalt  }
0x4d: {  	_ =	shalt  }
0x4e: {  	_ =	shalt  }
0x4f: {  	_ =	shalt  }
0x50: {  	_ =	shalt  }
0x51: {  	_ =	shalt  }
0x52: {  	_ =	shalt  }
0x53: {  	_ =	shalt  }
0x54: {  	_ =	shalt  }
0x55: {  	_ =	shalt  }
0x56: {  	_ =	shalt  }
0x57: {  	_ =	shalt  }
0x58: {  	_ =	shalt  }
0x59: {  	_ =	shalt  }
0x5a: {  	_ =	shalt  }
0x5b: {  	_ =	shalt  }
0x5c: {  	_ =	shalt  }
0x5d: {  	_ =	shalt  }
0x5e: {  	_ =	shalt  }
0x5f: {  	_ =	shalt  }
0x60: {  	_ =	shalt  }
0x61: {  	_ =	shalt  }
0x62: {  	_ =	shalt  }
0x63: {  	_ =	shalt  }
0x64: {  	_ =	shalt  }
0x65: {  	_ =	shalt  }
0x66: {  	_ =	shalt  }
0x67: {  	_ =	shalt  }
0x68: {  	_ =	shalt  }
0x69: {  	_ =	shalt  }
0x6a: {  	_ =	shalt  }
0x6b: {  	_ =	shalt  }
0x6c: {  	_ =	shalt  }
0x6d: {  	_ =	shalt  }
0x6e: {  	_ =	shalt  }
0x6f: {  	_ =	shalt  }
0x70: {  	_ =	shalt  }
0x71: {  	_ =	shalt  }
0x72: {  	_ =	shalt  }
0x73: {  	_ =	shalt  }
0x74: {  	_ =	shalt  }
0x75: {  	_ =	shalt  }
0x76: {  	_ =	shalt  }
0x77: {  	_ =	shalt  }
0x78: {  	_ =	shalt  }
0x79: {  	_ =	shalt  }
0x7a: {  	_ =	shalt  }
0x7b: {  	_ =	shalt  }
0x7c: {  	_ =	shalt  }
0x7d: {  	_ =	shalt  }
0x7e: {  	_ =	shalt  }
0x7f: {  	_ =	shalt  }
0x80: {  	_ =	shalt  }
0x81: {  	_ =	shalt  }
0x82: {  	_ =	shalt  }
0x83: {  	_ =	shalt  }
0x84: {  	_ =	shalt  }
0x85: {  	_ =	shalt  }
0x86: {  	_ =	shalt  }
0x87: {  	_ =	shalt  }
.Lfunc_end0:
.L_simem_size_0:
called_computation.1_lowered:
.L_overlay_start_0:
0x88: {  	s2 =	sld [smem:$0x3FD9]  }
0x89: {  	s3 =	sld [smem:$0x3FFE];
	_ =	sdelay $0x1  }
0x8a: {  	s1 =	srdreg.scid  }
0x8b: {  	s0 =	sand.u32 $0x1, s1  }
0x8c: {  	s17 =	sshll.u32 s0, $0xA;
	s2 =	sadd.s32 s3, s2  }
0x8d: {  	s2 =	sadd.s32 s2, s17  }
0x8e: {  	[smem:$0x3FC6] =	sst s2  }
0x8f: {  	_ = 	snop  }
0x90: {  	s2 =	sld [smem:$0x3FD0];
	(tm) =	ssettm $0x1  }
0x91: {  	s18 =	sld [smem:$0x3FFB];
	_ =	sdelay $0x3  }
0x92: {  	_ =	strace s18  }
0x93: {  	s3 =	sld [smem:$0x3FFC];
	_ =	sdelay $0x3  }
0x94: {  	_ =	strace s3  }
0x95: {  	s3 =	sld [smem:$0x3FFD];
	_ =	sdelay $0x3  }
0x96: {  	_ =	strace s3  }
0x97: {  	_ =	strace $0x8FFFFFFF  }
0x98: {  	s19 =	sld [smem:$0x3FDB];
	_ =	sdelay $0x1  }
0x99: {  	s4 =	simm.s32 $_scs_section_size  }
0x9a: {  	s5 =	simm.s32 $_size__tile_overlayer_lowered;
	s6 =	simm.s32 $_tile_overlayer_lowered  }
0x9b: {  	s22 =	simm.s32 $0x1BFF;
	s21 =	sshll.u32 s6, $0x1;
	s3 =	sadd.s32 s4, s19  }
0x9c: {  	s7 =	simm.s32 $0x0;
	s20 =	sshll.u32 s5, $0x1;
	s5 =	sadd.s32 s21, s3  }
0x9d: {  	[timem:s7], [sflag:s22] =	dma.local [hbm:s5], s20  }
0x9e: {  	_ =	swait.ge [sflag:s22], s20  }
0x9f: {  	s4 =	ssub.s32 $0x0, s20;
	[sflag:s22] =	ssyncset.done $0x0  }
0xa0: {  	[sflag:s22] =	ssyncadd.s32 s4;
	_ =	sdelay $0x1  }
0xa1: {  	s23 =	simm.s32 $0x1B8B  }
0xa2: {  	_ =	swait.ge [sflag:s23], $0x1  }
0xa3: {  	[sflag:s23] =	ssyncset.done $0x0  }
0xa4: {  	s25 =	simm.s32 $0x1B8E;
	s24 =	sld [smem:$0x3FFE];
	[sflag:s23] =	ssyncadd.s32 $0xFFFFFFFF  }
0xa5: {  	s26 =	simm.s32 $execute0_lowered;
	[smem:$0x3FD2] =	sst s25  }
0xa6: {  	s5 =	sshll.u32 s26, $0x1;
	_ =	strace $0x80000046;
	[dreg:$0x1] =	wrdreg $0xFFFFFFFF  }
0xa7: {  	s28 =	simm.s32 $_size_execute0_lowered;
	s3 =	sadd.s32 s3, s5;
	[dreg:$0x0] =	wrdreg $0x0  }
0xa8: {  	s5 =	sshll.u32 s28, $0x1;
	[dreg:$0x2] =	wrdreg s3  }
0xa9: {  	[dreg:$0x3] =	wrdreg s5  }
0xaa: {  	[dreg:$0x4] =	wrdreg $0xC0  }
0xab: {  	_ =	task [dreg:s7], $0x5FFFF  }
0xac: {  	[dreg:$0x1] =	wrdreg $0xFFFFFFFF  }
0xad: {  	[dreg:$0x0] =	wrdreg $0x60  }
0xae: {  	[dreg:$0x2] =	wrdreg s24  }
0xaf: {  	[dreg:$0x3] =	wrdreg s2  }
0xb0: {  	[dreg:$0x4] =	wrdreg $0x9  }
0xb1: {  	_ =	task.clear_ibuf [dreg:s7], $0x5FFFF;
	_ =	strace $0x90000046  }
0xb2: {  	s29 =	simm.s32 $0x9;
	_ =	strace $0x80000048  }
0xb3: {  	_ =	swait.ge [sflag:s29], $0x1  }
0xb4: {  	[sflag:s29] =	ssyncadd.s32 $0xFFFFFFFF  }
0xb5: {  	_ =	strace $0x90000048  }
0xb6: {  	_ =	sfence  }
0xb7: {  	s30 =	sld [smem:$0x0];
	_ =	sdelay $0x2  }
0xb8: {  	s31 =	sshll.u32 s1, $0xD;
	s1 =	sshrl.u32 s1, $0x2  }
0xb9: {  	s3 =	sand.u32 $0x4000, s31;
	s1 =	sadd.s32 s1, s30  }
0xba: {  	s0 =	sor.u32 s3, s0;
	s1 =	sshll.u32 s1, $0x11  }
0xbb: {  	s0 =	sor.u32 s1, s0  }
0xbc: {  	s0 =	sadd.s32 $0x8F2B, s0  }
0xbd: {  	[sflag:s0] =	ssyncadd.remote.s32 $0x1  }
0xbe: {  	_ =	sfence.sel $0xFFFF  }
0xbf: {  	[dreg:$0x0] =	wrdreg $0xFFFFFFFF;
	(pc) =	sbr.abs _section_cstart, $3  }
0xc0: {  	[dreg:$0x1] =	wrdreg $0xFFFFFFFF  }
0xc1: {  	_ =	task.clear_ibuf [dreg:s7], $0x2FFFF;
	_ =	strace $0x9FFFFFFF  }
0xc2: {  	(tm) =	ssettm $0x7FFFFFFF  }
0xc3: {  	_ =	shalt  }
tec
execute0_lowered:
.L_overlay_start_1:
0x0: {  	(tag) =	ssettag $0x1  }
0x1: {  	s0 =	rddreg [dreg:$0x0];
	s1 =	srdreg.scid  }
0x2: {  	s13 =	stileid.u32;
	s10 =	rddreg [dreg:$0x1];
	s2 =	simm.s32 $0x0  }
0x3: {  	s14 =	simm.s32 $0x80;
	s15 =	simm.s32 $0x6400;
	s12 =	smul.u32 $0x320000, s13  }
0x4: {  	s1 =	sand.u32 $0x1, s1;
	s3 =	sshll.u32 s13, $0x1;
	s13 =	smul.u32 $0x64000, s13  }
0x5: {  	s16 =	simm.s32 $0x8400;
	s28 =	simm.s32 $0x4;
	s21 =	smul.u32 $0x190000, s1  }
0x6: {  	s5 =	sor.u32 s1, s3;
	s4 =	ssub.s32 $0x2, s1;
	s1 =	smul.u32 $0x32000, s1  }
0x7: {  	s31 =	simm.s32 $0x3;
	[smem:$0x7FF] =	sst s2;
	s3 =	smul.u32 $0xC80, s5  }
0x8: {  	_ =	strace $0x80000047;
	s6 =	sshrl.u32 s4, $0x1;
	s7 =	smul.u32 $0x190000, s5  }
0x9: {  	s20 =	smul.u32 $0x32000, s5;
	s24 =	sadd.s32 s13, s10;
	s13 =	simm.s32 $0x7  }
0xa: {  	s17 =	ssub.s32 s4, s6;
	s1 =	sadd.s32 s1, s24;
	s8 =	sadd.s32 s3, s0  }
0xb: {  	s3 =	sadd.s32 $0xF42E00, s0;
	s19 =	sshrl.u32 s7, $0x3;
	s9 =	sor.u32 $0x4000, s7  }
0xc: {  	s6 =	smax.u32 s17, $0x1;
	s7 =	sadd.s32 s10, s20;
	s0 =	sadd.s32 s21, s12  }
0xd: {  	s30 =	sadd.s32 $0x1800, s1;
	s20 =	simm.s32 $0xC400;
	s21 =	simm.s32 $0x1  }
0xe: {  	s1 =	simm.s32 $0x5;
	s18 =	sadd.s32 $0xA00, s8;
	s11 =	sadd.s32 s19, s10  }
0xf: {  	s22 =	sshrl.u32 s9, $0x3;
	s23 =	sadd.s32 $0x10000, s0;
	s25 =	sadd.s32 $0x14000, s0  }
.Ltmp0:
0x10: {  	s19 =	simm.s32 $0x6;
	[dreg:$0x3] =	wrdreg s18;
	(pc) =	sbr.rel .LBB2_1-.Ltmp0, $4  }
0x11: {  	s5 =	sadd.s32 $0x31800, s11;
	s8 =	sadd.s32 s10, s22;
	s9 =	sadd.s32 $0x1000, s11  }
0x12: {  	s11 =	sshrl.u32 s23, $0x3;
	s26 =	sshrl.u32 s25, $0x3;
	s18 =	simm.s32 $0xA400  }
0x13: {  	s23 =	simm.s32 $0xE400;
	s25 =	simm.s32 $0x10400;
	s22 =	simm.s32 $0x0  }
0x14: {  	s0 =	sadd.s32 s11, s10;
	s29 =	sadd.s32 s26, s10;
	s26 =	simm.s32 $0x2  }
.LBB2_4:
0x15: {  	_ =	swait.ge [sflag:s21], $0x2000  }
0x16: {  	[sflag:s21] =	ssyncset.done $0x0  }
0x17: {  	[sflag:s21] =	ssyncadd.s32 $0xFFFFE000  }
0x18: {  	_ =	swait.ge [sflag:s21], $0x2000  }
0x19: {  	[sflag:s21] =	ssyncset.done $0x0  }
0x1a: {  	[sflag:s21] =	ssyncadd.s32 $0xFFFFE000  }
0x1b: {  	[hbm4b:s5+s2] =	stream.linear.scatter [tilespmem:s15], [sflag:$0x4], $0x4000, $0x38;
	[tilespmem:$0x12400] =	vst v63  }
0x1c: {  	_ =	swait.ge [sflag:s1], $0x4000  }
0x1d: {  	[sflag:s1] =	ssyncset.done $0x0  }
0x1e: {  	s22 =	sadd.s32 $0x1, s22;
	[sflag:s1] =	ssyncadd.s32 $0xFFFFC000  }
0x1f: {  	p0 =	sne.s32 s22, s6;
	_ =	swait.ge [sflag:s19], $0x4000  }
.Ltmp1:
0x20: {  	[sflag:s19] =	ssyncset.done $0x0;
	(pc) =	sbr.rel @!p0 .LBB2_5-.Ltmp1, $4  }
0x21: {  	[sflag:s19] =	ssyncadd.s32 $0xFFFFC000  }
0x22: {  	_ =	swait.ge [sflag:s28], $0x4000  }
0x23: {  	[sflag:s28] =	ssyncset.done $0x0  }
0x24: {  	[sflag:s28] =	ssyncadd.s32 $0xFFFFC000  }
.LBB2_1:
0x25: {  	s4 =	rddreg [dreg:$0x3]  }
0x26: {  	[tilespmem:s2], [sflag:$0x7] =	stream.linear.gather [hbm4b:s4+s2], $0x6400, $0x38;
	[tilespmem:$0x12400] =	vst v63  }
0x27: {  	_ =	swait.ge [sflag:s13], $0x6400  }
0x28: {  	[sflag:s13] =	ssyncset.done $0x0  }
0x29: {  	[sflag:s13] =	ssyncadd.s32 $0xFFFF9C00  }
0x2a: {  	[tilespmem:s15], [sflag:$0x1] =	stream.indirect.gather [hbm4b:s3+s14], $0x40, s2, s14, $0xb8;
	[tilespmem:$0x12400] =	vst v63  }
0x2b: {  	_ = 	snop  }
0x2c: {  	[tilespmem:s16], [sflag:$0x1] =	stream.indirect.gather [hbm4b:s3+s14], $0x40, s14, s14, $0xb8;
	[tilespmem:$0x12400] =	vst v63  }
0x2d: {  	s12 =	simm.s32 $0x100  }
0x2e: {  	[tilespmem:s18], [sflag:$0x2] =	stream.indirect.gather [hbm4b:s3+s14], $0x40, s12, s14, $0xb8;
	[tilespmem:$0x12400] =	vst v63  }
0x2f: {  	s17 =	simm.s32 $0x180  }
0x30: {  	[tilespmem:s20], [sflag:$0x2] =	stream.indirect.gather [hbm4b:s3+s14], $0x40, s17, s14, $0xb8;
	[tilespmem:$0x12400] =	vst v63  }
0x31: {  	_ =	swait.ge [sflag:s21], $0x2000  }
0x32: {  	[sflag:s21] =	ssyncset.done $0x0  }
0x33: {  	[sflag:s21] =	ssyncadd.s32 $0xFFFFE000  }
0x34: {  	_ =	swait.ge [sflag:s21], $0x2000  }
0x35: {  	[sflag:s21] =	ssyncset.done $0x0  }
0x36: {  	[sflag:s21] =	ssyncadd.s32 $0xFFFFE000  }
0x37: {  	[hbm4b:s7+s2] =	stream.linear.scatter [tilespmem:s15], [sflag:$0x4], $0x4000, $0x38;
	[tilespmem:$0x12400] =	vst v63  }
0x38: {  	s24 =	simm.s32 $0x200  }
0x39: {  	[tilespmem:s23], [sflag:$0x3] =	stream.indirect.gather [hbm4b:s3+s14], $0x40, s24, s14, $0xb8;
	[tilespmem:$0x12400] =	vst v63  }
0x3a: {  	s10 =	simm.s32 $0x280  }
0x3b: {  	[tilespmem:s25], [sflag:$0x3] =	stream.indirect.gather [hbm4b:s3+s14], $0x40, s10, s14, $0xb8;
	[tilespmem:$0x12400] =	vst v63  }
0x3c: {  	_ =	swait.ge [sflag:s26], $0x2000  }
0x3d: {  	[sflag:s26] =	ssyncset.done $0x0  }
0x3e: {  	[sflag:s26] =	ssyncadd.s32 $0xFFFFE000  }
0x3f: {  	_ =	swait.ge [sflag:s26], $0x2000  }
0x40: {  	[sflag:s26] =	ssyncset.done $0x0  }
0x41: {  	[sflag:s26] =	ssyncadd.s32 $0xFFFFE000  }
0x42: {  	[hbm4b:s8+s2] =	stream.linear.scatter [tilespmem:s18], [sflag:$0x5], $0x4000, $0x38;
	[tilespmem:$0x12400] =	vst v63  }
0x43: {  	_ =	swait.ge [sflag:s28], $0x4000  }
0x44: {  	[sflag:s28] =	ssyncset.done $0x0  }
0x45: {  	s11 =	simm.s32 $0x300;
	[sflag:s28] =	ssyncadd.s32 $0xFFFFC000  }
0x46: {  	[tilespmem:s15], [sflag:$0x1] =	stream.indirect.gather [hbm4b:s3+s14], $0x40, s11, s14, $0xb8;
	[tilespmem:$0x12400] =	vst v63  }
0x47: {  	s12 =	simm.s32 $0x380  }
0x48: {  	[tilespmem:s16], [sflag:$0x1] =	stream.indirect.gather [hbm4b:s3+s14], $0x40, s12, s14, $0xb8;
	[tilespmem:$0x12400] =	vst v63  }
0x49: {  	_ =	swait.ge [sflag:s31], $0x2000  }
0x4a: {  	[sflag:s31] =	ssyncset.done $0x0  }
0x4b: {  	[sflag:s31] =	ssyncadd.s32 $0xFFFFE000  }
0x4c: {  	_ =	swait.ge [sflag:s31], $0x2000  }
0x4d: {  	[sflag:s31] =	ssyncset.done $0x0  }
0x4e: {  	[sflag:s31] =	ssyncadd.s32 $0xFFFFE000  }
0x4f: {  	[hbm4b:s9+s2] =	stream.linear.scatter [tilespmem:s23], [sflag:$0x6], $0x4000, $0x38;
	[tilespmem:$0x12400] =	vst v63  }
0x50: {  	_ =	swait.ge [sflag:s1], $0x4000  }
0x51: {  	[sflag:s1] =	ssyncset.done $0x0  }
0x52: {  	s17 =	simm.s32 $0x400;
	[sflag:s1] =	ssyncadd.s32 $0xFFFFC000  }
0x53: {  	[tilespmem:s18], [sflag:$0x2] =	stream.indirect.gather [hbm4b:s3+s14], $0x40, s17, s14, $0xb8;
	[tilespmem:$0x12400] =	vst v63  }
0x54: {  	s24 =	simm.s32 $0x480;
	s10 =	smov.u32 s0  }
0x55: {  	[tilespmem:s20], [sflag:$0x2] =	stream.indirect.gather [hbm4b:s3+s14], $0x40, s24, s14, $0xb8;
	[tilespmem:$0x12400] =	vst v63  }
0x56: {  	s11 =	smov.u32 s30;
	s12 =	smov.u32 s29;
	s24 =	simm.s32 $0x0  }
.LBB2_2:
0x57: {  	_ =	swait.ge [sflag:s21], $0x2000  }
0x58: {  	[sflag:s21] =	ssyncset.done $0x0  }
0x59: {  	[sflag:s21] =	ssyncadd.s32 $0xFFFFE000  }
0x5a: {  	_ =	swait.ge [sflag:s21], $0x2000  }
0x5b: {  	[sflag:s21] =	ssyncset.done $0x0  }
0x5c: {  	[sflag:s21] =	ssyncadd.s32 $0xFFFFE000  }
0x5d: {  	[hbm4b:s11+s2] =	stream.linear.scatter [tilespmem:s15], [sflag:$0x4], $0x4000, $0x38;
	[tilespmem:$0x12400] =	vst v63  }
0x5e: {  	_ =	swait.ge [sflag:s19], $0x4000  }
0x5f: {  	s17 =	sshra.s32 s24, $0x2;
	[sflag:s19] =	ssyncset.done $0x0  }
0x60: {  	s4 =	sadd.s32 $0x500, s17;
	[sflag:s19] =	ssyncadd.s32 $0xFFFFC000  }
0x61: {  	[tilespmem:s23], [sflag:$0x3] =	stream.indirect.gather [hbm4b:s3+s14], $0x40, s4, s14, $0xb8;
	[tilespmem:$0x12400] =	vst v63  }
0x62: {  	s4 =	sadd.s32 $0x580, s17  }
0x63: {  	[tilespmem:s25], [sflag:$0x3] =	stream.indirect.gather [hbm4b:s3+s14], $0x40, s4, s14, $0xb8;
	[tilespmem:$0x12400] =	vst v63  }
0x64: {  	_ =	swait.ge [sflag:s26], $0x2000  }
0x65: {  	[sflag:s26] =	ssyncset.done $0x0  }
0x66: {  	[sflag:s26] =	ssyncadd.s32 $0xFFFFE000  }
0x67: {  	_ =	swait.ge [sflag:s26], $0x2000  }
0x68: {  	[sflag:s26] =	ssyncset.done $0x0  }
0x69: {  	[sflag:s26] =	ssyncadd.s32 $0xFFFFE000  }
0x6a: {  	[hbm4b:s10+s2] =	stream.linear.scatter [tilespmem:s18], [sflag:$0x5], $0x4000, $0x38;
	[tilespmem:$0x12400] =	vst v63  }
0x6b: {  	_ =	swait.ge [sflag:s28], $0x4000  }
0x6c: {  	[sflag:s28] =	ssyncset.done $0x0  }
0x6d: {  	s4 =	sadd.s32 $0x600, s17;
	[sflag:s28] =	ssyncadd.s32 $0xFFFFC000  }
0x6e: {  	[tilespmem:s15], [sflag:$0x1] =	stream.indirect.gather [hbm4b:s3+s14], $0x40, s4, s14, $0xb8;
	[tilespmem:$0x12400] =	vst v63  }
0x6f: {  	s4 =	sadd.s32 $0x680, s17  }
0x70: {  	[tilespmem:s16], [sflag:$0x1] =	stream.indirect.gather [hbm4b:s3+s14], $0x40, s4, s14, $0xb8;
	[tilespmem:$0x12400] =	vst v63  }
0x71: {  	_ =	swait.ge [sflag:s31], $0x2000  }
0x72: {  	p0 =	seq.s32 s24, $0x17400;
	[sflag:s31] =	ssyncset.done $0x0  }
.Ltmp2:
0x73: {  	[sflag:s31] =	ssyncadd.s32 $0xFFFFE000;
	(pc) =	sbr.rel @p0 .LBB2_4-.Ltmp2, $4  }
0x74: {  	_ =	swait.ge [sflag:s31], $0x2000  }
0x75: {  	[sflag:s31] =	ssyncset.done $0x0  }
0x76: {  	[sflag:s31] =	ssyncadd.s32 $0xFFFFE000  }
0x77: {  	[hbm4b:s12+s2] =	stream.linear.scatter [tilespmem:s23], [sflag:$0x6], $0x4000, $0x38;
	[tilespmem:$0x12400] =	vst v63  }
0x78: {  	_ =	swait.ge [sflag:s1], $0x4000  }
.Ltmp3:
0x79: {  	s4 =	sadd.s32 $0x700, s17;
	[sflag:s1] =	ssyncset.done $0x0;
	(pc) =	sbr.rel .LBB2_2-.Ltmp3, $4  }
0x7a: {  	s17 =	sadd.s32 $0x780, s17;
	s10 =	sadd.s32 $0x1800, s10;
	[sflag:s1] =	ssyncadd.s32 $0xFFFFC000  }
0x7b: {  	[tilespmem:s18], [sflag:$0x2] =	stream.indirect.gather [hbm4b:s3+s14], $0x40, s4, s14, $0xb8;
	[tilespmem:$0x12400] =	vst v63  }
0x7c: {  	s11 =	sadd.s32 $0x1800, s11;
	s12 =	sadd.s32 $0x1800, s12;
	s24 =	sadd.s32 $0xC00, s24  }
0x7d: {  	[tilespmem:s20], [sflag:$0x2] =	stream.indirect.gather [hbm4b:s3+s14], $0x40, s17, s14, $0xb8;
	[tilespmem:$0x12400] =	vst v63  }
.LBB2_5:
0x7e: {  	_ =	sfence.sel $0x180000  }
0x7f: {  	[bflag:$0x0] =	sbarrier.arrive $0xFFFF  }
0x80: {  	_ =	strace $0x90000047  }
0x81: {  	s0 =	stileid.u32;
	[bflag:$0x2] =	sbarrier.arrive $0xFFFF  }
0x82: {  	p0 =	sne.s32 s0, $0x0;
	s0 =	rddreg [dreg:$0x2]  }
0x83: {  	s0 =	sadd.s32 @!p0 $0x100000, s0  }
0x84: {  	[sflag:s0] =	ssyncadd.tile.s32 @!p0 $0x1;
	_ =	shalt  }
.Lfunc_end2:
_tile_overlayer_lowered:
.L_overlay_start_2:
0x85: {  	(tag) =	ssettag $0x2  }
0x86: {  	s0 =	rddreg [dreg:$0x0];
	s2 =	stileid.u32  }
0x87: {  	s1 =	rddreg [dreg:$0x1];
	p0 =	sne.s32 s2, $0x0  }
0x88: {  	s3 =	rddreg [dreg:$0x2];
	[bflag:$0x3] =	sbarrier.arrive $0xFFFF;
	s2 =	simm.s32 @!p0 $0x1C07  }
0x89: {  	[timem:s3], [sflag:s2] =	dma.local @!p0 [hbm:s0], s1  }
0x8a: {  	s0 =	simm.s32 @!p0 $0x7  }
0x8b: {  	_ =	swait.ge @!p0 [sflag:s0], s1  }
0x8c: {  	s1 =	ssub.s32 @!p0 $0x0, s1;
	[sflag:s0] =	ssyncset.done @!p0 $0x0  }
0x8d: {  	[sflag:s0] =	ssyncadd.s32 @!p0 s1  }
0x8e: {  	[bflag:$0x3] =	sbarrier.arrive $0xFFFF  }
0x8f: {  	_ =	shalt  }

// kernel: sparse-core-data-format-call.cloned.1.call-start
scs
called_computation_lowered:
.L_overlay_start_0:
0x0: {  	s2 =	sld [smem:$0x3FD9]  }
0x1: {  	s3 =	sld [smem:$0x3FFE];
	_ =	sdelay $0x1  }
0x2: {  	s1 =	srdreg.scid  }
0x3: {  	s0 =	sand.u32 $0x1, s1  }
0x4: {  	s18 =	sshll.u32 s0, $0xA;
	s2 =	sadd.s32 s3, s2  }
0x5: {  	s2 =	sadd.s32 s2, s18  }
0x6: {  	[smem:$0x3FC6] =	sst s2  }
0x7: {  	_ = 	snop  }
0x8: {  	s2 =	sld [smem:$0x3FD0];
	(tm) =	ssettm $0x1  }
0x9: {  	s19 =	sld [smem:$0x3FFB];
	_ =	sdelay $0x3  }
0xa: {  	_ =	strace s19  }
0xb: {  	s3 =	sld [smem:$0x3FFC];
	_ =	sdelay $0x3  }
0xc: {  	_ =	strace s3  }
0xd: {  	s3 =	sld [smem:$0x3FFD];
	_ =	sdelay $0x3  }
0xe: {  	_ =	strace s3  }
0xf: {  	_ =	strace $0x8FFFFFFF  }
0x10: {  	s20 =	sld [smem:$0x3FDB];
	_ =	sdelay $0x1  }
0x11: {  	s4 =	simm.s32 $_scs_section_size  }
0x12: {  	s5 =	simm.s32 $_size__tile_overlayer_lowered;
	s6 =	simm.s32 $_tile_overlayer_lowered  }
0x13: {  	s23 =	simm.s32 $0x1BFF;
	s22 =	sshll.u32 s6, $0x1;
	s3 =	sadd.s32 s4, s20  }
0x14: {  	s7 =	simm.s32 $0x0;
	s21 =	sshll.u32 s5, $0x1;
	s5 =	sadd.s32 s22, s3  }
0x15: {  	[timem:s7], [sflag:s23] =	dma.local [hbm:s5], s21  }
0x16: {  	_ =	swait.ge [sflag:s23], s21  }
0x17: {  	s4 =	ssub.s32 $0x0, s21;
	[sflag:s23] =	ssyncset.done $0x0  }
0x18: {  	[sflag:s23] =	ssyncadd.s32 s4;
	_ =	sdelay $0x1  }
0x19: {  	s24 =	simm.s32 $0x1B8B  }
0x1a: {  	_ =	swait.ge [sflag:s24], $0x1  }
0x1b: {  	[sflag:s24] =	ssyncset.done $0x0  }
0x1c: {  	s26 =	simm.s32 $0x1B8E;
	s25 =	sld [smem:$0x3FFE];
	[sflag:s24] =	ssyncadd.s32 $0xFFFFFFFF  }
0x1d: {  	s27 =	simm.s32 $execute0_lowered;
	[smem:$0x3FD2] =	sst s26  }
0x1e: {  	s5 =	sshll.u32 s27, $0x1;
	_ =	strace $0x80000049;
	[dreg:$0x1] =	wrdreg $0xFFFFFFFF  }
0x1f: {  	s28 =	simm.s32 $_size_execute0_lowered;
	s3 =	sadd.s32 s3, s5;
	[dreg:$0x0] =	wrdreg $0x0  }
0x20: {  	s5 =	sshll.u32 s28, $0x1;
	[dreg:$0x2] =	wrdreg s3  }
0x21: {  	[dreg:$0x3] =	wrdreg s5  }
0x22: {  	[dreg:$0x4] =	wrdreg $0xC0  }
0x23: {  	_ =	task [dreg:s7], $0x5FFFF  }
0x24: {  	[dreg:$0x1] =	wrdreg $0xFFFFFFFF  }
0x25: {  	[dreg:$0x0] =	wrdreg $0x60  }
0x26: {  	[dreg:$0x2] =	wrdreg s25  }
0x27: {  	[dreg:$0x3] =	wrdreg s2  }
0x28: {  	[dreg:$0x4] =	wrdreg $0x9  }
0x29: {  	_ =	task.clear_ibuf [dreg:s7], $0x5FFFF;
	_ =	strace $0x90000049  }
0x2a: {  	s29 =	simm.s32 $0x9;
	_ =	strace $0x8000004B  }
0x2b: {  	_ =	swait.ge [sflag:s29], $0x1  }
0x2c: {  	[sflag:s29] =	ssyncadd.s32 $0xFFFFFFFF  }
0x2d: {  	_ =	strace $0x9000004B  }
0x2e: {  	_ =	sfence  }
0x2f: {  	s30 =	sld [smem:$0x0];
	_ =	sdelay $0x2  }
0x30: {  	s31 =	sshll.u32 s1, $0xD;
	s1 =	sshrl.u32 s1, $0x2  }
0x31: {  	s3 =	sand.u32 $0x4000, s31;
	s1 =	sadd.s32 s1, s30  }
0x32: {  	s0 =	sor.u32 s3, s0;
	s1 =	sshll.u32 s1, $0x11  }
0x33: {  	s0 =	sor.u32 s1, s0  }
0x34: {  	s0 =	sadd.s32 $0x8F2B, s0  }
0x35: {  	[sflag:s0] =	ssyncadd.remote.s32 $0x1  }
0x36: {  	_ =	sfence.sel $0xFFFF  }
0x37: {  	[dreg:$0x0] =	wrdreg $0xFFFFFFFF;
	(pc) =	sbr.abs _section_cstart, $3  }
0x38: {  	[dreg:$0x1] =	wrdreg $0xFFFFFFFF  }
0x39: {  	_ =	task.clear_ibuf [dreg:s7], $0x2FFFF;
	_ =	strace $0x9FFFFFFF  }
0x3a: {  	(tm) =	ssettm $0x7FFFFFFF  }
0x3b: {  	_ =	shalt  }
tec
execute0_lowered:
.L_overlay_start_1:
0x0: {  	(tag) =	ssettag $0x1  }
0x1: {  	s0 =	srdreg.scid  }
0x2: {  	s1 =	sshll.u32 s0, $0x4  }
0x3: {  	s0 =	stileid.u32;
	s1 =	sand.u32 $0x10, s1  }
0x4: {  	s1 =	sor.u32 s0, s1  }
0x5: {  	s6 =	rddreg [dreg:$0x0];
	s4 =	simm.s32 $0x1;
	s2 =	sshll.u32 s1, $0x7  }
0x6: {  	s7 =	simm.s32 $0x2;
	s12 =	simm.s32 $0x0;
	s1 =	ssub.s32 $0x4000, s2  }
0x7: {  	s8 =	simm.s32 $0x20000;
	s13 =	simm.s32 $0x0;
	s3 =	sand.u32 $0xF80, s1  }
0x8: {  	s9 =	simm.s32 $0x0;
	s5 =	sshrl.u32 s1, $0xC;
	p0 =	sne.s32 s3, $0x0  }
.Ltmp0:
0x9: {  	s1 =	rddreg [dreg:$0x2];
	s4 =	simm.s32 @!p0 $0x0;
	(pc) =	sbr.rel .LBB1_1-.Ltmp0, $4  }
0xa: {  	s11 =	simm.s32 $0x0;
	s3 =	rddreg [dreg:$0x1];
	s5 =	sadd.s32 s4, s5  }
0xb: {  	_ =	strace $0x8000004A;
	s4 =	simm.s32 $0x1;
	s5 =	smul.u32 $0x32, s5  }
0xc: {  	s6 =	sadd.s32 $0xA00, s6;
	s10 =	smov.u32 s2;
	[sflag:s4] =	ssyncpa.u1 $0x0  }
0xd: {  	p0 =	por $0x0, $0x0;
	[sflag:s7] =	ssyncpa.u1 $0x0;
	s7 =	sor.u32 $0x1, s5  }
.LBB1_4:
0xe: {  	s16 =	sshll.u32 s13, $0x3;
	s17 =	sand.u32 $0x78, s13  }
0xf: {  	s30 =	sand.u32 $0x1F800, s13;
	s12 =	sshll.u32 s12, $0x11;
	s16 =	sand.u32 $0x3C00, s16  }
0x10: {  	[tilespmem:s15+$0x810 ss:$0x81] =	vst.msk $0xffff, v2;
	s31 =	sand.u32 $0x7, s13;
	s16 =	sor.u32 s17, s16;
	s17 =	sadd.s32 s3, s30  }
0x11: {  	[tilespmem:s15+$0x1020 ss:$0x81] =	vst.msk $0xffff, v0;
	s13 =	sshll.u32 s31, $0x12;
	s12 =	sadd.s32 s12, s17;
	s16 =	sshrl.u32 s16, $0x3  }
0x12: {  	[tilespmem:s15+$0x0 ss:$0x81] =	vst.msk $0xffff, v1;
	s13 =	sor.u32 $0x400, s13;
	s12 =	sadd.s32 s16, s12  }
0x13: {  	[hbm4b:s12+s13] =	stream.strided.scatter [tilespmem:s14], [sflag:$0x2], $0x2000, s8, s13, $0x20;
	[tilespmem:$0x8080] =	vst v63  }
.LBB1_5:
0x14: {  	s14 =	sadd.s32 $0x1, s9  }
0x15: {  	s12 =	sadd.s32 $0x1000, s10;
	s16 =	smov.u32 s10;
	p2 =	sgt.s32 s14, $0x31  }
0x16: {  	s16 =	smov.u32 @p2 s12  }
0x17: {  	s14 =	simm.s32 @p2 $0x0;
	p2 =	sgt.s32 s16, $0x3FFF  }
0x18: {  	s16 =	smov.u32 @p2 s2;
	p2 =	sne.s32 s11, s7  }
.Ltmp1:
0x19: {  	p1 =	slt.u32 s11, $0x2;
	(pc) =	sbr.rel @!p2 .LBB1_6-.Ltmp1, $4  }
0x1a: {  	s15 =	simm.s32 @!p1 $0x2  }
0x1b: {  	s13 =	smov.u32 s10;
	p0 =	por !p0, !p0;
	_ =	swait.ge @!p1 [sflag:s15], $0x2000  }
0x1c: {  	s12 =	smov.u32 s9;
	[sflag:s15] =	ssyncset.done @!p1 $0x0;
	s9 =	smov.u32 s14  }
0x1d: {  	s11 =	sadd.s32 $0x1, s11;
	[sflag:s15] =	ssyncadd.s32 @!p1 $0xFFFFE000;
	s10 =	smov.u32 s16  }
.LBB1_1:
0x1e: {  	p1 =	sge.u32 s11, s5  }
0x1f: {  	s14 =	sand.u32 @!p1 $0x1FFFFFF, s9  }
0x20: {  	s15 =	smulhi.u32 @!p1 $0x4924925, s14;
	_ =	sdelay $0x1  }
0x21: {  	s15 =	smul.u32 @!p1 $0x38, s15  }
0x22: {  	s16 =	sxor.u32 @!p1 $0xFFFFFFFF, s11;
	s17 =	smul.u32 @!p1 $0x380, s10  }
0x23: {  	s31 =	sadd.s32 $0xFFFFFFFF, s11;
	s16 =	sshll.u32 @!p1 s16, $0xD;
	s14 =	ssub.s32 @!p1 s14, s15  }
0x24: {  	s15 =	sand.u32 @!p1 $0x2000, s16;
	s16 =	sadd.s32 @!p1 s6, s17;
	s14 =	sshll.u32 @!p1 s14, $0x4  }
0x25: {  	s17 =	simm.s32 @!p1 $0x1C00;
	s14 =	sadd.s32 @!p1 s14, s16;
	s16 =	simm.s32 @!p1 $0x40  }
0x26: {  	[tilespmem:s15], [sflag:$0x1] =	stream.strided.gather @!p1 [hbm4b:s14+s16], $0x2000, s17, s16, $0x38;
	[tilespmem:$0x8080] =	vst v63  }
0x27: {  	p1 =	sge.u32 s31, s5  }
.Ltmp2:
0x28: {  	_ = 	snop;
	(pc) =	sbr.rel @p1 .LBB1_5-.Ltmp2, $1  }
0x29: {  	_ =	sdelay $0x3  }
0x2a: {  	s14 =	simm.s32 $0x1  }
0x2b: {  	_ =	swait.ge [sflag:s4], $0x2000;
	s14 =	simm.s32 @!p0 $0x0  }
0x2c: {  	[sflag:s4] =	ssyncset.done $0x0;
	s15 =	sshll.u32 s14, $0xD  }
0x2d: {  	[sflag:s4] =	ssyncadd.s32 $0xFFFFE000;
	s18 =	sor.u32 $0x20, s15  }
0x2e: {  	s14 =	smul.u32 $0x8100, s14;
	v3 =	vld [tilespmem:s18+$0x10]  }
0x2f: {  	s30 =	sand.u32 $0x1, s11;
	v2 =	vld [tilespmem:s18+$0xFFFFFFF0]  }
0x30: {  	s15 =	smul.u32 $0x8100, s30;
	s14 =	sshrl.u32 s14, $0x2;
	v0 =	vld [tilespmem:s18+$0x0]  }
0x31: {  	v1 =	vld [tilespmem:s18+$0xFFFFFFE0];
	s16 =	sor.u32 $0x4000, s14  }
0x32: {  	s31 =	sshrl.u32 s15, $0x2;
	s15 =	sadd.s32 $0x0, s16  }
0x33: {  	s17 =	simm.s32 $0x4;
	s18 =	sadd.s32 $0x40, s18;
	s14 =	sor.u32 $0x4000, s31;
	[tilespmem:s15+$0x1830 ss:$0x81] =	vst.msk $0xffff, v3  }
.LBB1_3:
0x34: {  	v3 =	vld [tilespmem:s18+$0x10];
	p1 =	sne.s32 s17, $0x1FC;
	[tilespmem:s15+$0x810 ss:$0x81] =	vst.msk $0xffff, v2;
	s19 =	smov.u32 s17;
	s17 =	sadd.s32 $0x4, s17  }
.Ltmp3:
0x35: {  	v2 =	vld [tilespmem:s18+$0xFFFFFFF0];
	[tilespmem:s15+$0x1020 ss:$0x81] =	vst.msk $0xffff, v0;
	(pc) =	sbr.rel @p1 .LBB1_3-.Ltmp3, $4  }
0x36: {  	v0 =	vld [tilespmem:s18+$0x0];
	[tilespmem:s15+$0x0 ss:$0x81] =	vst.msk $0xffff, v1  }
0x37: {  	s15 =	sshra.s32 s19, $0x2;
	v1 =	vld [tilespmem:s18+$0xFFFFFFE0]  }
0x38: {  	s15 =	sadd.s32 s15, s16  }
0x39: {  	s18 =	sadd.s32 $0x40, s18;
	[tilespmem:s15+$0x1830 ss:$0x81] =	vst.msk $0xffff, v3  }
.Ltmp4:
0x3a: {  	_ = 	snop;
	(pc) =	sbr.rel .LBB1_4-.Ltmp4, $1  }
0x3b: {  	_ =	sdelay $0x3  }
.LBB1_6:
0x3c: {  	_ =	sfence.sel $0x180000  }
0x3d: {  	s2 =	simm.s32 $0x1;
	[bflag:$0x0] =	sbarrier.arrive $0xFFFF  }
0x3e: {  	s31 =	simm.s32 $0x2;
	[sflag:s2] =	ssyncpa.u1 $0x1  }
0x3f: {  	[sflag:s31] =	ssyncpa.u1 $0x1  }
0x40: {  	p0 =	sne.s32 s0, $0x0;
	_ =	strace $0x9000004A  }
0x41: {  	s0 =	sadd.s32 @!p0 $0x100000, s1;
	[bflag:$0x2] =	sbarrier.arrive $0xFFFF  }
0x42: {  	[sflag:s0] =	ssyncadd.tile.s32 @!p0 $0x1;
	_ =	shalt  }
.Lfunc_end1:
_tile_overlayer_lowered:
.L_overlay_start_2:
0x43: {  	(tag) =	ssettag $0x2  }
0x44: {  	s0 =	rddreg [dreg:$0x0];
	s2 =	stileid.u32  }
0x45: {  	s1 =	rddreg [dreg:$0x1];
	p0 =	sne.s32 s2, $0x0  }
0x46: {  	s3 =	rddreg [dreg:$0x2];
	[bflag:$0x3] =	sbarrier.arrive $0xFFFF;
	s2 =	simm.s32 @!p0 $0x1C01  }
0x47: {  	[timem:s3], [sflag:s2] =	dma.local @!p0 [hbm:s0], s1  }
0x48: {  	s0 =	simm.s32 @!p0 $0x1  }
0x49: {  	_ =	swait.ge @!p0 [sflag:s0], s1  }
0x4a: {  	s1 =	ssub.s32 @!p0 $0x0, s1;
	[sflag:s0] =	ssyncset.done @!p0 $0x0  }
0x4b: {  	[sflag:s0] =	ssyncadd.s32 @!p0 s1  }
0x4c: {  	[bflag:$0x3] =	sbarrier.arrive $0xFFFF  }
0x4d: {  	_ =	shalt  }

</sc_bundles>
